<compile_context>
chip_gen: v7x
topology: tpu7x:2x2x1
jax: 0.10.2.dev20260603
libtpu: 0.0.44.dev20260713+nightly
codegen_flags: <defaults>
</compile_context>

<pallas_src>
import functools

import jax
import jax.numpy as jnp
from jax import lax
from jax.experimental import pallas as pl
from jax.experimental.pallas import tpu as pltpu
from jax.experimental.pallas import tpu_sc as plsc

_NBINS = 10001
_NBPAD = 10240
_SLICE = _NBPAD // 16
_N = 100000
_NTILES = 16
_CHUNK = 6256
_LCHUNK = _N - _CHUNK * (_NTILES - 1)


def _auc_body(preds_hbm, targets_hbm, rows_hbm, out_hbm,
              preds_v, targets_v, hist_v, idx_v, tps_v, fps_v,
              stat_v, vec_v, out_v, shared, terms_sh):
    wid = lax.axis_index("s")
    base = wid * _CHUNK

    zeros = jnp.zeros((16,), jnp.float32)
    ones = jnp.ones((16,), jnp.float32)
    iota = lax.iota(jnp.int32, 16)
    zeros_i = jnp.zeros((16,), jnp.int32)

    @plsc.parallel_loop(0, _NBPAD // 16, unroll=8)
    def _(j):
        hist_v[0, pl.ds(j * 16, 16)] = zeros
        hist_v[1, pl.ds(j * 16, 16)] = zeros

    @pl.when(wid < _NTILES - 1)
    def _():
        pltpu.sync_copy(preds_hbm.at[pl.ds(base, _CHUNK)], preds_v)
        pltpu.sync_copy(targets_hbm.at[pl.ds(base, _CHUNK)], targets_v)

    @pl.when(wid == _NTILES - 1)
    def _():
        pltpu.sync_copy(preds_hbm.at[pl.ds(base, _LCHUNK)],
                        preds_v.at[pl.ds(0, _LCHUNK)])
        pltpu.sync_copy(targets_hbm.at[pl.ds(base, _LCHUNK)],
                        targets_v.at[pl.ds(0, _LCHUNK)])

    pltpu.sync_copy(rows_hbm, idx_v)

    @pl.when(wid == 0)
    def _():
        pltpu.sync_copy(hist_v, shared)

    def body(j):
        x = preds_v[pl.ds(j * 16, 16)]
        t = targets_v[pl.ds(j * 16, 16)]
        b = (10000.0 / (1.0 + jnp.exp(-x))).astype(jnp.int32)
        b2 = b + jnp.where(t >= 0.5, _NBPAD, 0).astype(jnp.int32)
        plsc.addupdate_scatter(hist_v.at[0], [b2], ones)

    @pl.when(wid < _NTILES - 1)
    def _():
        plsc.parallel_loop(0, _CHUNK // 16, unroll=4)(body)

    @pl.when(wid == _NTILES - 1)
    def _():
        plsc.parallel_loop(0, _LCHUNK // 16, unroll=4)(body)

    plsc.subcore_barrier()
    pltpu.sync_copy(hist_v, shared.at[idx_v], add=True)
    plsc.subcore_barrier()

    sbase = wid * _SLICE
    pltpu.sync_copy(shared.at[1, pl.ds(sbase, _SLICE)], tps_v)
    pltpu.sync_copy(shared.at[0, pl.ds(sbase, _SLICE)], fps_v)

    @plsc.parallel_loop(0, _SLICE // 16, unroll=4,
                        carry=(jnp.float32(0.0), zeros, zeros))
    def _scan(j, c):
        cloc, afp, accp = c
        tpv = tps_v[pl.ds(j * 16, 16)]
        fpv = fps_v[pl.ds(j * 16, 16)]
        incl = plsc.cumsum(tpv)
        lexcl = cloc + incl - tpv
        return (cloc + incl[15], afp + fpv, accp + (lexcl + 0.5 * tpv) * fpv)
    atp_s, afp_v, accp_v = _scan

    afp_s = jnp.sum(afp_v)
    par_s = jnp.sum(accp_v)
    vec_v[...] = jnp.where(iota == 0, atp_s,
                           jnp.where(iota == 1, afp_s, par_s))
    pltpu.sync_copy(vec_v, terms_sh.at[wid])
    plsc.subcore_barrier()

    @pl.when(wid == 0)
    def _():
        pltpu.sync_copy(terms_sh, stat_v)
        ones_i = jnp.full((16,), 1, jnp.int32)
        atp_t = plsc.load_gather(stat_v, [iota, zeros_i])
        afp_t = plsc.load_gather(stat_v, [iota, ones_i])
        par_t = plsc.load_gather(stat_v, [iota, ones_i + ones_i])
        s_tp = jnp.sum(atp_t) * ones
        s_fp = jnp.sum(afp_t) * ones
        off = plsc.cumsum(atp_t) - atp_t
        v = (s_tp - off) * afp_t - par_t
        out_v[...] = (jnp.sum(v) * ones) / (s_tp * s_fp)
        pltpu.sync_copy(out_v, out_hbm)


@jax.jit
def _auc_call(preds, targets):
    mesh = plsc.VectorSubcoreMesh(core_axis_name="c", subcore_axis_name="s",
                                  num_cores=1)
    run = functools.partial(
        pl.kernel, mesh=mesh,
        compiler_params=pltpu.CompilerParams(use_tc_tiling_on_sc=False,
                                             needs_layout_passes=False),
        out_type=jax.ShapeDtypeStruct((16,), jnp.float32),
        scratch_types=[
            pltpu.VMEM((_CHUNK,), jnp.float32),
            pltpu.VMEM((_CHUNK,), jnp.float32),
            pltpu.VMEM((2, _NBPAD), jnp.float32),
            pltpu.VMEM((2,), jnp.int32),
            pltpu.VMEM((_SLICE,), jnp.float32),
            pltpu.VMEM((_SLICE,), jnp.float32),
            pltpu.VMEM((16, 16), jnp.float32),
            pltpu.VMEM((16,), jnp.float32),
            pltpu.VMEM((16,), jnp.float32),
            pltpu.VMEM_SHARED((2, _NBPAD), jnp.float32),
            pltpu.VMEM_SHARED((16, 16), jnp.float32),
        ],
    )(_auc_body)
    return run(preds, targets, jnp.arange(2, dtype=jnp.int32))


def kernel(preds, targets):
    out = _auc_call(preds.reshape(-1), targets.reshape(-1))
    return out[0]

# --- scband reference (transcript-rebuilt; emitter-appended) ---
"""Pipeline reference for scband-auc-8134668058855 (READ-ONLY COPY).

The authoritative reference and input builder live on the scoring server;
editing this copy changes nothing except your own understanding.
"""

import jax, jax.numpy as jnp
import numpy as np

NBINS = 10001

def setup_inputs(seed: int = 0) -> dict:
    key = jax.random.key(seed)
    k1, k2 = jax.random.split(key)
    preds = jax.random.normal(k1, (100000,), dtype=jnp.float32)
    targets = jax.random.uniform(k2, (100000,), dtype=jnp.float32)
    return {"preds": preds, "targets": targets}

def _eval_auc(tp, fp):
    tp_total = jnp.sum(tp)
    fp_total = jnp.sum(fp)
    tp_reverse = tp[::-1]
    tp_reverse_cum = jnp.cumsum(tp_reverse) - tp_reverse / 2.0
    fp_reverse = fp[::-1]
    auc = jnp.sum((tp_reverse_cum / tp_total) * (fp_reverse / fp_total))
    return auc

def reference(preds, targets):
    # quantize sigmoid(preds) into 10001 bins
    y_pred = (10000.0 * jax.nn.sigmoid(preds)).reshape(-1).astype(jnp.int32)
    y_true = targets.reshape(-1)
    pos = (y_true >= 0.5).astype(jnp.float32)
    neg = 1.0 - pos
    # scatter-add: histogram of predicted bins split by label
    tpi = jnp.zeros((NBINS,), dtype=jnp.float32).at[y_pred].add(pos)
    fpi = jnp.zeros((NBINS,), dtype=jnp.float32).at[y_pred].add(neg)
    return _eval_auc(tpi, fpi)

if __name__ == "__main__":
    import jax
    _d = setup_inputs()
    print(jax.jit(kernel)(*tuple(_d.values())))

</pallas_src>

<mosaic_0001>
#map = affine_map<(d0, d1) -> (0)>
module attributes {stable_mosaic.version = 14 : i64} {
  func.func @_auc_body(%arg0: i32, %arg1: i32, %arg2: memref<100000xf32, #tpu.memory_space<hbm>>, %arg3: memref<100000xf32, #tpu.memory_space<hbm>>, %arg4: memref<2xi32, #tpu.memory_space<hbm>>, %arg5: memref<16xf32, #tpu.memory_space<hbm>>, %arg6: memref<6256xf32, #tpu.memory_space<vmem>>, %arg7: memref<6256xf32, #tpu.memory_space<vmem>>, %arg8: memref<2x10240xf32, #tpu.memory_space<vmem>>, %arg9: memref<2xi32, #tpu.memory_space<vmem>>, %arg10: memref<640xf32, #tpu.memory_space<vmem>>, %arg11: memref<640xf32, #tpu.memory_space<vmem>>, %arg12: memref<16x16xf32, #tpu.memory_space<vmem>>, %arg13: memref<16xf32, #tpu.memory_space<vmem>>, %arg14: memref<16xf32, #tpu.memory_space<vmem>>, %arg15: memref<2x10240xf32, #tpu.memory_space<vmem_shared>>, %arg16: memref<16x16xf32, #tpu.memory_space<vmem_shared>>) attributes {dimension_semantics = [#tpu.dimension_semantics<core_parallel>, #tpu.dimension_semantics<subcore_parallel>], iteration_bounds = array<i64: 1, 16>, scalar_prefetch = 0 : i64, scratch_operands = 11 : i64, tpu.core_type = #tpu.core_type<sc_vector_subcore>, window_params = [{transform_indices = #map}, {transform_indices = #map}, {transform_indices = #map}, {transform_indices = #map}]} {
    %mul3A = arith.constant 6256 : i32
    %mul3A_0 = arith.muli %arg1, %mul3A : i32
    %broadcast_in_dim3A = arith.constant 0.000000e+00 : f32
    %broadcast_in_dim3A_1 = vector.broadcast %broadcast_in_dim3A : f32 to vector<16xf32>
    %broadcast_in_dim3A_2 = arith.constant 1.000000e+00 : f32
    %broadcast_in_dim3A_3 = vector.broadcast %broadcast_in_dim3A_2 : f32 to vector<16xf32>
    %iota3A = tpu.iota {dimensions = array<i32: 0>} : vector<16xi32>
    %broadcast_in_dim3A_4 = arith.constant 0 : i32
    %broadcast_in_dim3A_5 = vector.broadcast %broadcast_in_dim3A_4 : i32 to vector<16xi32>
    %parallel_loop3A = arith.constant 0 : i32
    %parallel_loop3A_6 = arith.constant 640 : i32
    %parallel_loop3A_7 = arith.constant 1 : i32
    scf.for %parallel_loop3A_62 = %parallel_loop3A to %parallel_loop3A_6 step %parallel_loop3A_7  : i32 {
      %parallel_loop3A_63 = arith.constant 16 : i32
      %parallel_loop3A_64 = arith.muli %parallel_loop3A_62, %parallel_loop3A_63 : i32
      %parallel_loop3A_65 = arith.constant 0 : i32
      %parallel_loop3A_66 = arith.index_cast %parallel_loop3A_65 : i32 to index
      %parallel_loop3A_67 = arith.index_cast %parallel_loop3A_64 : i32 to index
      %parallel_loop3A_68 = tpu.vector_load %arg8[%parallel_loop3A_66, %parallel_loop3A_67] {strides = array<i32>} : memref<2x10240xf32, #tpu.memory_space<vmem>>, vector<16xf32>,
      tpu.vector_store %arg8[%parallel_loop3A_66, %parallel_loop3A_67], %broadcast_in_dim3A_1 {strides = array<i32>} : memref<2x10240xf32, #tpu.memory_space<vmem>>, vector<16xf32>,
      %parallel_loop3A_69 = arith.constant 16 : i32
      %parallel_loop3A_70 = arith.muli %parallel_loop3A_62, %parallel_loop3A_69 : i32
      %parallel_loop3A_71 = arith.constant 1 : i32
      %parallel_loop3A_72 = arith.index_cast %parallel_loop3A_71 : i32 to index
      %parallel_loop3A_73 = arith.index_cast %parallel_loop3A_70 : i32 to index
      %parallel_loop3A_74 = tpu.vector_load %arg8[%parallel_loop3A_72, %parallel_loop3A_73] {strides = array<i32>} : memref<2x10240xf32, #tpu.memory_space<vmem>>, vector<16xf32>,
      tpu.vector_store %arg8[%parallel_loop3A_72, %parallel_loop3A_73], %broadcast_in_dim3A_1 {strides = array<i32>} : memref<2x10240xf32, #tpu.memory_space<vmem>>, vector<16xf32>,
    } {sc.loop_unroll_factor = 8 : i64, sc.parallel_access}
    %lt3A = arith.constant 15 : i32
    %lt3A_8 = arith.cmpi slt, %arg1, %lt3A : i32
    %convert_element_type3A = arith.extui %lt3A_8 : i1 to i32
    %cond3A = arith.constant 0 : i32
    %cond3A_9 = arith.cmpi ne, %convert_element_type3A, %cond3A : i32
    scf.if %cond3A_9 {
      "tpu.region"() ({
        %run_scoped3A_62 = tpu.sem_alloc : memref<!tpu.dma_semaphore, #tpu.memory_space<semaphore_mem>>
        %dma_start3A = tpu.memref_slice %arg2[%mul3A_0] : memref<100000xf32, #tpu.memory_space<hbm>> -> memref<6256xf32, #tpu.memory_space<hbm>>
        %dma_start3A_63 = tpu.memref_slice %arg2[%mul3A_0] : memref<100000xf32, #tpu.memory_space<hbm>> -> memref<6256xf32, #tpu.memory_space<hbm>>
        tpu.enqueue_dma source(%dma_start3A_63 : memref<6256xf32, #tpu.memory_space<hbm>>) target(%arg6 : memref<6256xf32, #tpu.memory_space<vmem>>) target_semaphore(%run_scoped3A_62 : memref<!tpu.dma_semaphore, #tpu.memory_space<semaphore_mem>>)
        %dma_wait3A = tpu.memref_slice %arg2[%mul3A_0] : memref<100000xf32, #tpu.memory_space<hbm>> -> memref<6256xf32, #tpu.memory_space<hbm>>
        %dma_wait3A_64 = tpu.memref_slice %arg2[%mul3A_0] : memref<100000xf32, #tpu.memory_space<hbm>> -> memref<6256xf32, #tpu.memory_space<hbm>>
        tpu.wait_dma2 semaphore(%run_scoped3A_62 : memref<!tpu.dma_semaphore, #tpu.memory_space<semaphore_mem>>) src(%dma_wait3A_64 : memref<6256xf32, #tpu.memory_space<hbm>>) dst(%arg6 : memref<6256xf32, #tpu.memory_space<vmem>>)
        tpu.yield
      }) : () -> ()
      "tpu.region"() ({
        %run_scoped3A_62 = tpu.sem_alloc : memref<!tpu.dma_semaphore, #tpu.memory_space<semaphore_mem>>
        %dma_start3A = tpu.memref_slice %arg3[%mul3A_0] : memref<100000xf32, #tpu.memory_space<hbm>> -> memref<6256xf32, #tpu.memory_space<hbm>>
        %dma_start3A_63 = tpu.memref_slice %arg3[%mul3A_0] : memref<100000xf32, #tpu.memory_space<hbm>> -> memref<6256xf32, #tpu.memory_space<hbm>>
        tpu.enqueue_dma source(%dma_start3A_63 : memref<6256xf32, #tpu.memory_space<hbm>>) target(%arg7 : memref<6256xf32, #tpu.memory_space<vmem>>) target_semaphore(%run_scoped3A_62 : memref<!tpu.dma_semaphore, #tpu.memory_space<semaphore_mem>>)
        %dma_wait3A = tpu.memref_slice %arg3[%mul3A_0] : memref<100000xf32, #tpu.memory_space<hbm>> -> memref<6256xf32, #tpu.memory_space<hbm>>
        %dma_wait3A_64 = tpu.memref_slice %arg3[%mul3A_0] : memref<100000xf32, #tpu.memory_space<hbm>> -> memref<6256xf32, #tpu.memory_space<hbm>>
        tpu.wait_dma2 semaphore(%run_scoped3A_62 : memref<!tpu.dma_semaphore, #tpu.memory_space<semaphore_mem>>) src(%dma_wait3A_64 : memref<6256xf32, #tpu.memory_space<hbm>>) dst(%arg7 : memref<6256xf32, #tpu.memory_space<vmem>>)
        tpu.yield
      }) : () -> ()
    } else {
    }
    %eq3A = arith.constant 15 : i32
    %eq3A_10 = arith.cmpi eq, %arg1, %eq3A : i32
    %convert_element_type3A_11 = arith.extui %eq3A_10 : i1 to i32
    %cond3A_12 = arith.constant 0 : i32
    %cond3A_13 = arith.cmpi ne, %convert_element_type3A_11, %cond3A_12 : i32
    scf.if %cond3A_13 {
      "tpu.region"() ({
        %run_scoped3A_62 = tpu.sem_alloc : memref<!tpu.dma_semaphore, #tpu.memory_space<semaphore_mem>>
        %dma_start3A = arith.constant 0 : i32
        %dma_start3A_63 = tpu.memref_slice %arg6[%dma_start3A] : memref<6256xf32, #tpu.memory_space<vmem>> -> memref<6160xf32, #tpu.memory_space<vmem>>
        %dma_start3A_64 = tpu.memref_slice %arg2[%mul3A_0] : memref<100000xf32, #tpu.memory_space<hbm>> -> memref<6160xf32, #tpu.memory_space<hbm>>
        %dma_start3A_65 = arith.constant 0 : i32
        %dma_start3A_66 = tpu.memref_slice %arg6[%dma_start3A_65] : memref<6256xf32, #tpu.memory_space<vmem>> -> memref<6160xf32, #tpu.memory_space<vmem>>
        %dma_start3A_67 = tpu.memref_slice %arg2[%mul3A_0] : memref<100000xf32, #tpu.memory_space<hbm>> -> memref<6160xf32, #tpu.memory_space<hbm>>
        tpu.enqueue_dma source(%dma_start3A_67 : memref<6160xf32, #tpu.memory_space<hbm>>) target(%dma_start3A_66 : memref<6160xf32, #tpu.memory_space<vmem>>) target_semaphore(%run_scoped3A_62 : memref<!tpu.dma_semaphore, #tpu.memory_space<semaphore_mem>>)
        %dma_wait3A = arith.constant 0 : i32
        %dma_wait3A_68 = tpu.memref_slice %arg6[%dma_wait3A] : memref<6256xf32, #tpu.memory_space<vmem>> -> memref<6160xf32, #tpu.memory_space<vmem>>
        %dma_wait3A_69 = tpu.memref_slice %arg2[%mul3A_0] : memref<100000xf32, #tpu.memory_space<hbm>> -> memref<6160xf32, #tpu.memory_space<hbm>>
        %dma_wait3A_70 = arith.constant 0 : i32
        %dma_wait3A_71 = tpu.memref_slice %arg6[%dma_wait3A_70] : memref<6256xf32, #tpu.memory_space<vmem>> -> memref<6160xf32, #tpu.memory_space<vmem>>
        %dma_wait3A_72 = tpu.memref_slice %arg2[%mul3A_0] : memref<100000xf32, #tpu.memory_space<hbm>> -> memref<6160xf32, #tpu.memory_space<hbm>>
        tpu.wait_dma2 semaphore(%run_scoped3A_62 : memref<!tpu.dma_semaphore, #tpu.memory_space<semaphore_mem>>) src(%dma_wait3A_72 : memref<6160xf32, #tpu.memory_space<hbm>>) dst(%dma_wait3A_71 : memref<6160xf32, #tpu.memory_space<vmem>>)
        tpu.yield
      }) : () -> ()
      "tpu.region"() ({
        %run_scoped3A_62 = tpu.sem_alloc : memref<!tpu.dma_semaphore, #tpu.memory_space<semaphore_mem>>
        %dma_start3A = arith.constant 0 : i32
        %dma_start3A_63 = tpu.memref_slice %arg7[%dma_start3A] : memref<6256xf32, #tpu.memory_space<vmem>> -> memref<6160xf32, #tpu.memory_space<vmem>>
        %dma_start3A_64 = tpu.memref_slice %arg3[%mul3A_0] : memref<100000xf32, #tpu.memory_space<hbm>> -> memref<6160xf32, #tpu.memory_space<hbm>>
        %dma_start3A_65 = arith.constant 0 : i32
        %dma_start3A_66 = tpu.memref_slice %arg7[%dma_start3A_65] : memref<6256xf32, #tpu.memory_space<vmem>> -> memref<6160xf32, #tpu.memory_space<vmem>>
        %dma_start3A_67 = tpu.memref_slice %arg3[%mul3A_0] : memref<100000xf32, #tpu.memory_space<hbm>> -> memref<6160xf32, #tpu.memory_space<hbm>>
        tpu.enqueue_dma source(%dma_start3A_67 : memref<6160xf32, #tpu.memory_space<hbm>>) target(%dma_start3A_66 : memref<6160xf32, #tpu.memory_space<vmem>>) target_semaphore(%run_scoped3A_62 : memref<!tpu.dma_semaphore, #tpu.memory_space<semaphore_mem>>)
        %dma_wait3A = arith.constant 0 : i32
        %dma_wait3A_68 = tpu.memref_slice %arg7[%dma_wait3A] : memref<6256xf32, #tpu.memory_space<vmem>> -> memref<6160xf32, #tpu.memory_space<vmem>>
        %dma_wait3A_69 = tpu.memref_slice %arg3[%mul3A_0] : memref<100000xf32, #tpu.memory_space<hbm>> -> memref<6160xf32, #tpu.memory_space<hbm>>
        %dma_wait3A_70 = arith.constant 0 : i32
        %dma_wait3A_71 = tpu.memref_slice %arg7[%dma_wait3A_70] : memref<6256xf32, #tpu.memory_space<vmem>> -> memref<6160xf32, #tpu.memory_space<vmem>>
        %dma_wait3A_72 = tpu.memref_slice %arg3[%mul3A_0] : memref<100000xf32, #tpu.memory_space<hbm>> -> memref<6160xf32, #tpu.memory_space<hbm>>
        tpu.wait_dma2 semaphore(%run_scoped3A_62 : memref<!tpu.dma_semaphore, #tpu.memory_space<semaphore_mem>>) src(%dma_wait3A_72 : memref<6160xf32, #tpu.memory_space<hbm>>) dst(%dma_wait3A_71 : memref<6160xf32, #tpu.memory_space<vmem>>)
        tpu.yield
      }) : () -> ()
    } else {
    }
    "tpu.region"() ({
      %run_scoped3A_62 = tpu.sem_alloc : memref<!tpu.dma_semaphore, #tpu.memory_space<semaphore_mem>>
      tpu.enqueue_dma source(%arg4 : memref<2xi32, #tpu.memory_space<hbm>>) target(%arg9 : memref<2xi32, #tpu.memory_space<vmem>>) target_semaphore(%run_scoped3A_62 : memref<!tpu.dma_semaphore, #tpu.memory_space<semaphore_mem>>)
      tpu.wait_dma2 semaphore(%run_scoped3A_62 : memref<!tpu.dma_semaphore, #tpu.memory_space<semaphore_mem>>) src(%arg4 : memref<2xi32, #tpu.memory_space<hbm>>) dst(%arg9 : memref<2xi32, #tpu.memory_space<vmem>>)
      tpu.yield
    }) : () -> ()
    %eq3A_14 = arith.constant 0 : i32
    %eq3A_15 = arith.cmpi eq, %arg1, %eq3A_14 : i32
    %convert_element_type3A_16 = arith.extui %eq3A_15 : i1 to i32
    %cond3A_17 = arith.constant 0 : i32
    %cond3A_18 = arith.cmpi ne, %convert_element_type3A_16, %cond3A_17 : i32
    scf.if %cond3A_18 {
      "tpu.region"() ({
        %run_scoped3A_62 = tpu.sem_alloc : memref<!tpu.dma_semaphore, #tpu.memory_space<semaphore_mem>>
        tpu.enqueue_dma source(%arg8 : memref<2x10240xf32, #tpu.memory_space<vmem>>) target(%arg15 : memref<2x10240xf32, #tpu.memory_space<vmem_shared>>) target_semaphore(%run_scoped3A_62 : memref<!tpu.dma_semaphore, #tpu.memory_space<semaphore_mem>>)
        tpu.wait_dma2 semaphore(%run_scoped3A_62 : memref<!tpu.dma_semaphore, #tpu.memory_space<semaphore_mem>>) src(%arg8 : memref<2x10240xf32, #tpu.memory_space<vmem>>) dst(%arg15 : memref<2x10240xf32, #tpu.memory_space<vmem_shared>>)
        tpu.yield
      }) : () -> ()
    } else {
    }
    %lt3A_19 = arith.constant 15 : i32
    %lt3A_20 = arith.cmpi slt, %arg1, %lt3A_19 : i32
    %convert_element_type3A_21 = arith.extui %lt3A_20 : i1 to i32
    %cond3A_22 = arith.constant 0 : i32
    %cond3A_23 = arith.cmpi ne, %convert_element_type3A_21, %cond3A_22 : i32
    scf.if %cond3A_23 {
      %parallel_loop3A_62 = arith.constant 0 : i32
      %parallel_loop3A_63 = arith.constant 391 : i32
      %parallel_loop3A_64 = arith.constant 1 : i32
      scf.for %parallel_loop3A_65 = %parallel_loop3A_62 to %parallel_loop3A_63 step %parallel_loop3A_64  : i32 {
        %parallel_loop3A_66 = arith.constant 16 : i32
        %parallel_loop3A_67 = arith.muli %parallel_loop3A_65, %parallel_loop3A_66 : i32
        %parallel_loop3A_68 = arith.index_cast %parallel_loop3A_67 : i32 to index
        %parallel_loop3A_69 = tpu.vector_load %arg6[%parallel_loop3A_68] {strides = array<i32>} : memref<6256xf32, #tpu.memory_space<vmem>>, vector<16xf32>,
        %parallel_loop3A_70 = arith.constant 16 : i32
        %parallel_loop3A_71 = arith.muli %parallel_loop3A_65, %parallel_loop3A_70 : i32
        %parallel_loop3A_72 = arith.index_cast %parallel_loop3A_71 : i32 to index
        %parallel_loop3A_73 = tpu.vector_load %arg7[%parallel_loop3A_72] {strides = array<i32>} : memref<6256xf32, #tpu.memory_space<vmem>>, vector<16xf32>,
        %parallel_loop3A_74 = arith.constant 0.000000e+00 : f32
        %parallel_loop3A_75 = vector.broadcast %parallel_loop3A_74 : f32 to vector<16xf32>
        %parallel_loop3A_76 = arith.subf %parallel_loop3A_75, %parallel_loop3A_69 : vector<16xf32>
        %parallel_loop3A_77 = math.exp %parallel_loop3A_76 : vector<16xf32>
        %parallel_loop3A_78 = arith.constant 1.000000e+00 : f32
        %parallel_loop3A_79 = vector.broadcast %parallel_loop3A_78 : f32 to vector<16xf32>
        %parallel_loop3A_80 = arith.addf %parallel_loop3A_79, %parallel_loop3A_77 : vector<16xf32>
        %parallel_loop3A_81 = arith.constant 1.000000e+04 : f32
        %parallel_loop3A_82 = vector.broadcast %parallel_loop3A_81 : f32 to vector<16xf32>
        %parallel_loop3A_83 = arith.divf %parallel_loop3A_82, %parallel_loop3A_80 : vector<16xf32>
        %parallel_loop3A_84 = arith.fptosi %parallel_loop3A_83 : vector<16xf32> to vector<16xi32>
        %parallel_loop3A_85 = arith.constant 5.000000e-01 : f32
        %parallel_loop3A_86 = vector.broadcast %parallel_loop3A_85 : f32 to vector<16xf32>
        %parallel_loop3A_87 = arith.cmpf oge, %parallel_loop3A_73, %parallel_loop3A_86 : vector<16xf32>
        %parallel_loop3A_88 = arith.constant 10240 : i32
        %parallel_loop3A_89 = arith.constant 0 : i32
        %parallel_loop3A_90 = vector.broadcast %parallel_loop3A_88 : i32 to vector<16xi32>
        %parallel_loop3A_91 = vector.broadcast %parallel_loop3A_89 : i32 to vector<16xi32>
        %parallel_loop3A_92 = arith.select %parallel_loop3A_87, %parallel_loop3A_90, %parallel_loop3A_91 : vector<16xi1>, vector<16xi32>
        %parallel_loop3A_93 = arith.addi %parallel_loop3A_84, %parallel_loop3A_92 : vector<16xi32>
        %parallel_loop3A_94 = arith.constant 0 : i32
        %parallel_loop3A_95 = arith.constant 0 : i32
        %parallel_loop3A_96 = tpu.memref_slice %arg8[%parallel_loop3A_94, %parallel_loop3A_95] : memref<2x10240xf32, #tpu.memory_space<vmem>> -> memref<1x10240xf32, #tpu.memory_space<vmem>>
        %parallel_loop3A_97 = tpu.memref_squeeze %parallel_loop3A_96 : memref<1x10240xf32, #tpu.memory_space<vmem>> -> memref<10240xf32, #tpu.memory_space<vmem>>
        tpu.vector_store_idx %parallel_loop3A_97[%parallel_loop3A_93], %broadcast_in_dim3A_3 {add = true} : memref<10240xf32, #tpu.memory_space<vmem>>[vector<16xi32>], vector<16xf32>,
      } {sc.loop_unroll_factor = 4 : i64, sc.parallel_access}
    } else {
    }
    %eq3A_24 = arith.constant 15 : i32
    %eq3A_25 = arith.cmpi eq, %arg1, %eq3A_24 : i32
    %convert_element_type3A_26 = arith.extui %eq3A_25 : i1 to i32
    %cond3A_27 = arith.constant 0 : i32
    %cond3A_28 = arith.cmpi ne, %convert_element_type3A_26, %cond3A_27 : i32
    scf.if %cond3A_28 {
      %parallel_loop3A_62 = arith.constant 0 : i32
      %parallel_loop3A_63 = arith.constant 385 : i32
      %parallel_loop3A_64 = arith.constant 1 : i32
      scf.for %parallel_loop3A_65 = %parallel_loop3A_62 to %parallel_loop3A_63 step %parallel_loop3A_64  : i32 {
        %parallel_loop3A_66 = arith.constant 16 : i32
        %parallel_loop3A_67 = arith.muli %parallel_loop3A_65, %parallel_loop3A_66 : i32
        %parallel_loop3A_68 = arith.index_cast %parallel_loop3A_67 : i32 to index
        %parallel_loop3A_69 = tpu.vector_load %arg6[%parallel_loop3A_68] {strides = array<i32>} : memref<6256xf32, #tpu.memory_space<vmem>>, vector<16xf32>,
        %parallel_loop3A_70 = arith.constant 16 : i32
        %parallel_loop3A_71 = arith.muli %parallel_loop3A_65, %parallel_loop3A_70 : i32
        %parallel_loop3A_72 = arith.index_cast %parallel_loop3A_71 : i32 to index
        %parallel_loop3A_73 = tpu.vector_load %arg7[%parallel_loop3A_72] {strides = array<i32>} : memref<6256xf32, #tpu.memory_space<vmem>>, vector<16xf32>,
        %parallel_loop3A_74 = arith.constant 0.000000e+00 : f32
        %parallel_loop3A_75 = vector.broadcast %parallel_loop3A_74 : f32 to vector<16xf32>
        %parallel_loop3A_76 = arith.subf %parallel_loop3A_75, %parallel_loop3A_69 : vector<16xf32>
        %parallel_loop3A_77 = math.exp %parallel_loop3A_76 : vector<16xf32>
        %parallel_loop3A_78 = arith.constant 1.000000e+00 : f32
        %parallel_loop3A_79 = vector.broadcast %parallel_loop3A_78 : f32 to vector<16xf32>
        %parallel_loop3A_80 = arith.addf %parallel_loop3A_79, %parallel_loop3A_77 : vector<16xf32>
        %parallel_loop3A_81 = arith.constant 1.000000e+04 : f32
        %parallel_loop3A_82 = vector.broadcast %parallel_loop3A_81 : f32 to vector<16xf32>
        %parallel_loop3A_83 = arith.divf %parallel_loop3A_82, %parallel_loop3A_80 : vector<16xf32>
        %parallel_loop3A_84 = arith.fptosi %parallel_loop3A_83 : vector<16xf32> to vector<16xi32>
        %parallel_loop3A_85 = arith.constant 5.000000e-01 : f32
        %parallel_loop3A_86 = vector.broadcast %parallel_loop3A_85 : f32 to vector<16xf32>
        %parallel_loop3A_87 = arith.cmpf oge, %parallel_loop3A_73, %parallel_loop3A_86 : vector<16xf32>
        %parallel_loop3A_88 = arith.constant 10240 : i32
        %parallel_loop3A_89 = arith.constant 0 : i32
        %parallel_loop3A_90 = vector.broadcast %parallel_loop3A_88 : i32 to vector<16xi32>
        %parallel_loop3A_91 = vector.broadcast %parallel_loop3A_89 : i32 to vector<16xi32>
        %parallel_loop3A_92 = arith.select %parallel_loop3A_87, %parallel_loop3A_90, %parallel_loop3A_91 : vector<16xi1>, vector<16xi32>
        %parallel_loop3A_93 = arith.addi %parallel_loop3A_84, %parallel_loop3A_92 : vector<16xi32>
        %parallel_loop3A_94 = arith.constant 0 : i32
        %parallel_loop3A_95 = arith.constant 0 : i32
        %parallel_loop3A_96 = tpu.memref_slice %arg8[%parallel_loop3A_94, %parallel_loop3A_95] : memref<2x10240xf32, #tpu.memory_space<vmem>> -> memref<1x10240xf32, #tpu.memory_space<vmem>>
        %parallel_loop3A_97 = tpu.memref_squeeze %parallel_loop3A_96 : memref<1x10240xf32, #tpu.memory_space<vmem>> -> memref<10240xf32, #tpu.memory_space<vmem>>
        tpu.vector_store_idx %parallel_loop3A_97[%parallel_loop3A_93], %broadcast_in_dim3A_3 {add = true} : memref<10240xf32, #tpu.memory_space<vmem>>[vector<16xi32>], vector<16xf32>,
      } {sc.loop_unroll_factor = 4 : i64, sc.parallel_access}
    } else {
    }
    %barrier3A = arith.constant 0 : index
    tpu.barrier barrier_id(%barrier3A)
    "tpu.region"() ({
      %run_scoped3A_62 = tpu.sem_alloc : memref<!tpu.dma_semaphore, #tpu.memory_space<semaphore_mem>>
      %dma_start3A = arith.constant 0 : i32
      %dma_start3A_63 = arith.constant 0 : i32
      %dma_start3A_64 = tpu.memref_slice %arg15[%dma_start3A, %dma_start3A_63] : memref<2x10240xf32, #tpu.memory_space<vmem_shared>> -> memref<2x10240xf32, #tpu.memory_space<vmem_shared>>
      tpu.enqueue_indirect_dma source(%arg8 : memref<2x10240xf32, #tpu.memory_space<vmem>>) target(%dma_start3A_64 : memref<2x10240xf32, #tpu.memory_space<vmem_shared>>) offsets(%arg9 : memref<2xi32, #tpu.memory_space<vmem>>) semaphore(%run_scoped3A_62 : memref<!tpu.dma_semaphore, #tpu.memory_space<semaphore_mem>>) {add = true}
      %dma_wait3A = arith.constant 0 : i32
      %dma_wait3A_65 = arith.constant 0 : i32
      %dma_wait3A_66 = tpu.memref_slice %arg15[%dma_wait3A, %dma_wait3A_65] : memref<2x10240xf32, #tpu.memory_space<vmem_shared>> -> memref<2x10240xf32, #tpu.memory_space<vmem_shared>>
      tpu.wait_indirect_dma semaphore(%run_scoped3A_62 : memref<!tpu.dma_semaphore, #tpu.memory_space<semaphore_mem>>) src(%arg8 : memref<2x10240xf32, #tpu.memory_space<vmem>>) dst(%dma_wait3A_66 : memref<2x10240xf32, #tpu.memory_space<vmem_shared>>)
      tpu.yield
    }) : () -> ()
    %barrier3A_29 = arith.constant 0 : index
    tpu.barrier barrier_id(%barrier3A_29)
    %mul3A_30 = arith.constant 640 : i32
    %mul3A_31 = arith.muli %arg1, %mul3A_30 : i32
    %run_scoped3A = arith.constant 1 : i32
    "tpu.region"() ({
      %run_scoped3A_62 = tpu.sem_alloc : memref<!tpu.dma_semaphore, #tpu.memory_space<semaphore_mem>>
      %dma_start3A = tpu.memref_slice %arg15[%run_scoped3A, %mul3A_31] : memref<2x10240xf32, #tpu.memory_space<vmem_shared>> -> memref<1x640xf32, #tpu.memory_space<vmem_shared>>
      %dma_start3A_63 = tpu.memref_squeeze %dma_start3A : memref<1x640xf32, #tpu.memory_space<vmem_shared>> -> memref<640xf32, #tpu.memory_space<vmem_shared>>
      %dma_start3A_64 = tpu.memref_slice %arg15[%run_scoped3A, %mul3A_31] : memref<2x10240xf32, #tpu.memory_space<vmem_shared>> -> memref<1x640xf32, #tpu.memory_space<vmem_shared>>
      %dma_start3A_65 = tpu.memref_squeeze %dma_start3A_64 : memref<1x640xf32, #tpu.memory_space<vmem_shared>> -> memref<640xf32, #tpu.memory_space<vmem_shared>>
      tpu.enqueue_dma source(%dma_start3A_65 : memref<640xf32, #tpu.memory_space<vmem_shared>>) target(%arg10 : memref<640xf32, #tpu.memory_space<vmem>>) target_semaphore(%run_scoped3A_62 : memref<!tpu.dma_semaphore, #tpu.memory_space<semaphore_mem>>)
      %dma_wait3A = tpu.memref_slice %arg15[%run_scoped3A, %mul3A_31] : memref<2x10240xf32, #tpu.memory_space<vmem_shared>> -> memref<1x640xf32, #tpu.memory_space<vmem_shared>>
      %dma_wait3A_66 = tpu.memref_squeeze %dma_wait3A : memref<1x640xf32, #tpu.memory_space<vmem_shared>> -> memref<640xf32, #tpu.memory_space<vmem_shared>>
      %dma_wait3A_67 = tpu.memref_slice %arg15[%run_scoped3A, %mul3A_31] : memref<2x10240xf32, #tpu.memory_space<vmem_shared>> -> memref<1x640xf32, #tpu.memory_space<vmem_shared>>
      %dma_wait3A_68 = tpu.memref_squeeze %dma_wait3A_67 : memref<1x640xf32, #tpu.memory_space<vmem_shared>> -> memref<640xf32, #tpu.memory_space<vmem_shared>>
      tpu.wait_dma2 semaphore(%run_scoped3A_62 : memref<!tpu.dma_semaphore, #tpu.memory_space<semaphore_mem>>) src(%dma_wait3A_68 : memref<640xf32, #tpu.memory_space<vmem_shared>>) dst(%arg10 : memref<640xf32, #tpu.memory_space<vmem>>)
      tpu.yield
    }) : () -> ()
    %run_scoped3A_32 = arith.constant 0 : i32
    "tpu.region"() ({
      %run_scoped3A_62 = tpu.sem_alloc : memref<!tpu.dma_semaphore, #tpu.memory_space<semaphore_mem>>
      %dma_start3A = tpu.memref_slice %arg15[%run_scoped3A_32, %mul3A_31] : memref<2x10240xf32, #tpu.memory_space<vmem_shared>> -> memref<1x640xf32, #tpu.memory_space<vmem_shared>>
      %dma_start3A_63 = tpu.memref_squeeze %dma_start3A : memref<1x640xf32, #tpu.memory_space<vmem_shared>> -> memref<640xf32, #tpu.memory_space<vmem_shared>>
      %dma_start3A_64 = tpu.memref_slice %arg15[%run_scoped3A_32, %mul3A_31] : memref<2x10240xf32, #tpu.memory_space<vmem_shared>> -> memref<1x640xf32, #tpu.memory_space<vmem_shared>>
      %dma_start3A_65 = tpu.memref_squeeze %dma_start3A_64 : memref<1x640xf32, #tpu.memory_space<vmem_shared>> -> memref<640xf32, #tpu.memory_space<vmem_shared>>
      tpu.enqueue_dma source(%dma_start3A_65 : memref<640xf32, #tpu.memory_space<vmem_shared>>) target(%arg11 : memref<640xf32, #tpu.memory_space<vmem>>) target_semaphore(%run_scoped3A_62 : memref<!tpu.dma_semaphore, #tpu.memory_space<semaphore_mem>>)
      %dma_wait3A = tpu.memref_slice %arg15[%run_scoped3A_32, %mul3A_31] : memref<2x10240xf32, #tpu.memory_space<vmem_shared>> -> memref<1x640xf32, #tpu.memory_space<vmem_shared>>
      %dma_wait3A_66 = tpu.memref_squeeze %dma_wait3A : memref<1x640xf32, #tpu.memory_space<vmem_shared>> -> memref<640xf32, #tpu.memory_space<vmem_shared>>
      %dma_wait3A_67 = tpu.memref_slice %arg15[%run_scoped3A_32, %mul3A_31] : memref<2x10240xf32, #tpu.memory_space<vmem_shared>> -> memref<1x640xf32, #tpu.memory_space<vmem_shared>>
      %dma_wait3A_68 = tpu.memref_squeeze %dma_wait3A_67 : memref<1x640xf32, #tpu.memory_space<vmem_shared>> -> memref<640xf32, #tpu.memory_space<vmem_shared>>
      tpu.wait_dma2 semaphore(%run_scoped3A_62 : memref<!tpu.dma_semaphore, #tpu.memory_space<semaphore_mem>>) src(%dma_wait3A_68 : memref<640xf32, #tpu.memory_space<vmem_shared>>) dst(%arg11 : memref<640xf32, #tpu.memory_space<vmem>>)
      tpu.yield
    }) : () -> ()
    %parallel_loop3A_33 = arith.constant 0 : i32
    %parallel_loop3A_34 = arith.constant 40 : i32
    %parallel_loop3A_35 = arith.constant 1 : i32
    %parallel_loop3A_36 = arith.constant 0.000000e+00 : f32
    %parallel_loop3A_37:3 = scf.for %parallel_loop3A_62 = %parallel_loop3A_33 to %parallel_loop3A_34 step %parallel_loop3A_35 iter_args(%parallel_loop3A_63 = %parallel_loop3A_36, %parallel_loop3A_64 = %broadcast_in_dim3A_1, %parallel_loop3A_65 = %broadcast_in_dim3A_1) -> (f32, vector<16xf32>, vector<16xf32>)  : i32 {
      %parallel_loop3A_66 = arith.constant 16 : i32
      %parallel_loop3A_67 = arith.muli %parallel_loop3A_62, %parallel_loop3A_66 : i32
      %parallel_loop3A_68 = arith.index_cast %parallel_loop3A_67 : i32 to index
      %parallel_loop3A_69 = tpu.vector_load %arg10[%parallel_loop3A_68] {strides = array<i32>} : memref<640xf32, #tpu.memory_space<vmem>>, vector<16xf32>,
      %parallel_loop3A_70 = arith.constant 16 : i32
      %parallel_loop3A_71 = arith.muli %parallel_loop3A_62, %parallel_loop3A_70 : i32
      %parallel_loop3A_72 = arith.index_cast %parallel_loop3A_71 : i32 to index
      %parallel_loop3A_73 = tpu.vector_load %arg11[%parallel_loop3A_72] {strides = array<i32>} : memref<640xf32, #tpu.memory_space<vmem>>, vector<16xf32>,
      %parallel_loop3A_74 = arith.constant true
      %parallel_loop3A_75 = vector.broadcast %parallel_loop3A_74 : i1 to vector<16xi1>
      %parallel_loop3A_76 = tpu.scan <sum>, %parallel_loop3A_69 masked %parallel_loop3A_75 : vector<16xf32>, vector<16xi1> -> vector<16xf32>
      %parallel_loop3A_77 = vector.broadcast %parallel_loop3A_63 : f32 to vector<16xf32>
      %parallel_loop3A_78 = arith.addf %parallel_loop3A_77, %parallel_loop3A_76 : vector<16xf32>
      %parallel_loop3A_79 = arith.subf %parallel_loop3A_78, %parallel_loop3A_69 : vector<16xf32>
      %parallel_loop3A_80 = vector.extract_strided_slice %parallel_loop3A_76 {offsets = [15], sizes = [1], strides = [1]} : vector<16xf32> to vector<1xf32>
      %parallel_loop3A_81 = vector.extract %parallel_loop3A_80[0] : f32 from vector<1xf32>
      %parallel_loop3A_82 = arith.addf %parallel_loop3A_63, %parallel_loop3A_81 : f32
      %parallel_loop3A_83 = arith.addf %parallel_loop3A_64, %parallel_loop3A_73 : vector<16xf32>
      %parallel_loop3A_84 = arith.constant 5.000000e-01 : f32
      %parallel_loop3A_85 = vector.broadcast %parallel_loop3A_84 : f32 to vector<16xf32>
      %parallel_loop3A_86 = arith.mulf %parallel_loop3A_85, %parallel_loop3A_69 : vector<16xf32>
      %parallel_loop3A_87 = arith.addf %parallel_loop3A_79, %parallel_loop3A_86 : vector<16xf32>
      %parallel_loop3A_88 = arith.mulf %parallel_loop3A_87, %parallel_loop3A_73 : vector<16xf32>
      %parallel_loop3A_89 = arith.addf %parallel_loop3A_65, %parallel_loop3A_88 : vector<16xf32>
      scf.yield %parallel_loop3A_82, %parallel_loop3A_83, %parallel_loop3A_89 : f32, vector<16xf32>, vector<16xf32>
    } {sc.loop_unroll_factor = 4 : i64, sc.parallel_access}
    %reduce_sum3A = arith.constant true
    %reduce_sum3A_38 = vector.broadcast %reduce_sum3A : i1 to vector<16xi1>
    %reduce_sum3A_39 = tpu.scan <sum>, %parallel_loop3A_37#1 masked %reduce_sum3A_38 : vector<16xf32>, vector<16xi1> -> vector<16xf32>
    %reduce_sum3A_40 = vector.extract %reduce_sum3A_39[15] : f32 from vector<16xf32>
    %reduce_sum3A_41 = arith.constant true
    %reduce_sum3A_42 = vector.broadcast %reduce_sum3A_41 : i1 to vector<16xi1>
    %reduce_sum3A_43 = tpu.scan <sum>, %parallel_loop3A_37#2 masked %reduce_sum3A_42 : vector<16xf32>, vector<16xi1> -> vector<16xf32>
    %reduce_sum3A_44 = vector.extract %reduce_sum3A_43[15] : f32 from vector<16xf32>
    %eq3A_45 = arith.constant 0 : i32
    %eq3A_46 = vector.broadcast %eq3A_45 : i32 to vector<16xi32>
    %eq3A_47 = arith.cmpi eq, %iota3A, %eq3A_46 : vector<16xi32>
    %eq3A_48 = arith.constant 1 : i32
    %eq3A_49 = vector.broadcast %eq3A_48 : i32 to vector<16xi32>
    %eq3A_50 = arith.cmpi eq, %iota3A, %eq3A_49 : vector<16xi32>
    %broadcast_in_dim3A_51 = vector.broadcast %reduce_sum3A_40 : f32 to vector<16xf32>
    %broadcast_in_dim3A_52 = vector.broadcast %reduce_sum3A_44 : f32 to vector<16xf32>
    %select_n3A = arith.select %eq3A_50, %broadcast_in_dim3A_51, %broadcast_in_dim3A_52 : vector<16xi1>, vector<16xf32>
    %broadcast_in_dim3A_53 = vector.broadcast %parallel_loop3A_37#0 : f32 to vector<16xf32>
    %select_n3A_54 = arith.select %eq3A_47, %broadcast_in_dim3A_53, %select_n3A : vector<16xi1>, vector<16xf32>
    %swap3A = arith.constant 0 : index
    %swap3A_55 = tpu.vector_load %arg13[%swap3A] {strides = array<i32>} : memref<16xf32, #tpu.memory_space<vmem>>, vector<16xf32>,
    tpu.vector_store %arg13[%swap3A], %select_n3A_54 {strides = array<i32>} : memref<16xf32, #tpu.memory_space<vmem>>, vector<16xf32>,
    "tpu.region"() ({
      %run_scoped3A_62 = tpu.sem_alloc : memref<!tpu.dma_semaphore, #tpu.memory_space<semaphore_mem>>
      %dma_start3A = arith.constant 0 : i32
      %dma_start3A_63 = tpu.memref_slice %arg16[%arg1, %dma_start3A] : memref<16x16xf32, #tpu.memory_space<vmem_shared>> -> memref<1x16xf32, #tpu.memory_space<vmem_shared>>
      %dma_start3A_64 = tpu.memref_squeeze %dma_start3A_63 : memref<1x16xf32, #tpu.memory_space<vmem_shared>> -> memref<16xf32, #tpu.memory_space<vmem_shared>>
      %dma_start3A_65 = arith.constant 0 : i32
      %dma_start3A_66 = tpu.memref_slice %arg16[%arg1, %dma_start3A_65] : memref<16x16xf32, #tpu.memory_space<vmem_shared>> -> memref<1x16xf32, #tpu.memory_space<vmem_shared>>
      %dma_start3A_67 = tpu.memref_squeeze %dma_start3A_66 : memref<1x16xf32, #tpu.memory_space<vmem_shared>> -> memref<16xf32, #tpu.memory_space<vmem_shared>>
      tpu.enqueue_dma source(%arg13 : memref<16xf32, #tpu.memory_space<vmem>>) target(%dma_start3A_67 : memref<16xf32, #tpu.memory_space<vmem_shared>>) target_semaphore(%run_scoped3A_62 : memref<!tpu.dma_semaphore, #tpu.memory_space<semaphore_mem>>)
      %dma_wait3A = arith.constant 0 : i32
      %dma_wait3A_68 = tpu.memref_slice %arg16[%arg1, %dma_wait3A] : memref<16x16xf32, #tpu.memory_space<vmem_shared>> -> memref<1x16xf32, #tpu.memory_space<vmem_shared>>
      %dma_wait3A_69 = tpu.memref_squeeze %dma_wait3A_68 : memref<1x16xf32, #tpu.memory_space<vmem_shared>> -> memref<16xf32, #tpu.memory_space<vmem_shared>>
      %dma_wait3A_70 = arith.constant 0 : i32
      %dma_wait3A_71 = tpu.memref_slice %arg16[%arg1, %dma_wait3A_70] : memref<16x16xf32, #tpu.memory_space<vmem_shared>> -> memref<1x16xf32, #tpu.memory_space<vmem_shared>>
      %dma_wait3A_72 = tpu.memref_squeeze %dma_wait3A_71 : memref<1x16xf32, #tpu.memory_space<vmem_shared>> -> memref<16xf32, #tpu.memory_space<vmem_shared>>
      tpu.wait_dma2 semaphore(%run_scoped3A_62 : memref<!tpu.dma_semaphore, #tpu.memory_space<semaphore_mem>>) src(%arg13 : memref<16xf32, #tpu.memory_space<vmem>>) dst(%dma_wait3A_72 : memref<16xf32, #tpu.memory_space<vmem_shared>>)
      tpu.yield
    }) : () -> ()
    %barrier3A_56 = arith.constant 0 : index
    tpu.barrier barrier_id(%barrier3A_56)
    %eq3A_57 = arith.constant 0 : i32
    %eq3A_58 = arith.cmpi eq, %arg1, %eq3A_57 : i32
    %convert_element_type3A_59 = arith.extui %eq3A_58 : i1 to i32
    %cond3A_60 = arith.constant 0 : i32
    %cond3A_61 = arith.cmpi ne, %convert_element_type3A_59, %cond3A_60 : i32
    scf.if %cond3A_61 {
      "tpu.region"() ({
        %run_scoped3A_92 = tpu.sem_alloc : memref<!tpu.dma_semaphore, #tpu.memory_space<semaphore_mem>>
        tpu.enqueue_dma source(%arg16 : memref<16x16xf32, #tpu.memory_space<vmem_shared>>) target(%arg12 : memref<16x16xf32, #tpu.memory_space<vmem>>) target_semaphore(%run_scoped3A_92 : memref<!tpu.dma_semaphore, #tpu.memory_space<semaphore_mem>>)
        tpu.wait_dma2 semaphore(%run_scoped3A_92 : memref<!tpu.dma_semaphore, #tpu.memory_space<semaphore_mem>>) src(%arg16 : memref<16x16xf32, #tpu.memory_space<vmem_shared>>) dst(%arg12 : memref<16x16xf32, #tpu.memory_space<vmem>>)
        tpu.yield
      }) : () -> ()
      %broadcast_in_dim3A_62 = arith.constant 1 : i32
      %broadcast_in_dim3A_63 = vector.broadcast %broadcast_in_dim3A_62 : i32 to vector<16xi32>
      %gather3A = tpu.vector_load_idx %arg12[%iota3A, %broadcast_in_dim3A_5] : memref<16x16xf32, #tpu.memory_space<vmem>>[vector<16xi32>, vector<16xi32>], vector<16xf32>,
      %gather3A_64 = tpu.vector_load_idx %arg12[%iota3A, %broadcast_in_dim3A_63] : memref<16x16xf32, #tpu.memory_space<vmem>>[vector<16xi32>, vector<16xi32>], vector<16xf32>,
      %add3A = arith.addi %broadcast_in_dim3A_63, %broadcast_in_dim3A_63 : vector<16xi32>
      %gather3A_65 = tpu.vector_load_idx %arg12[%iota3A, %add3A] : memref<16x16xf32, #tpu.memory_space<vmem>>[vector<16xi32>, vector<16xi32>], vector<16xf32>,
      %reduce_sum3A_66 = arith.constant true
      %reduce_sum3A_67 = vector.broadcast %reduce_sum3A_66 : i1 to vector<16xi1>
      %reduce_sum3A_68 = tpu.scan <sum>, %gather3A masked %reduce_sum3A_67 : vector<16xf32>, vector<16xi1> -> vector<16xf32>
      %reduce_sum3A_69 = vector.extract %reduce_sum3A_68[15] : f32 from vector<16xf32>
      %mul3A_70 = vector.broadcast %reduce_sum3A_69 : f32 to vector<16xf32>
      %mul3A_71 = arith.mulf %mul3A_70, %broadcast_in_dim3A_3 : vector<16xf32>
      %reduce_sum3A_72 = arith.constant true
      %reduce_sum3A_73 = vector.broadcast %reduce_sum3A_72 : i1 to vector<16xi1>
      %reduce_sum3A_74 = tpu.scan <sum>, %gather3A_64 masked %reduce_sum3A_73 : vector<16xf32>, vector<16xi1> -> vector<16xf32>
      %reduce_sum3A_75 = vector.extract %reduce_sum3A_74[15] : f32 from vector<16xf32>
      %mul3A_76 = vector.broadcast %reduce_sum3A_75 : f32 to vector<16xf32>
      %mul3A_77 = arith.mulf %mul3A_76, %broadcast_in_dim3A_3 : vector<16xf32>
      %broadcast_in_dim3A_78 = arith.constant true
      %broadcast_in_dim3A_79 = vector.broadcast %broadcast_in_dim3A_78 : i1 to vector<16xi1>
      %masked_cumsum3A = tpu.scan <sum>, %gather3A masked %broadcast_in_dim3A_79 : vector<16xf32>, vector<16xi1> -> vector<16xf32>
      %sub3A = arith.subf %masked_cumsum3A, %gather3A : vector<16xf32>
      %sub3A_80 = arith.subf %mul3A_71, %sub3A : vector<16xf32>
      %mul3A_81 = arith.mulf %sub3A_80, %gather3A_64 : vector<16xf32>
      %sub3A_82 = arith.subf %mul3A_81, %gather3A_65 : vector<16xf32>
      %reduce_sum3A_83 = arith.constant true
      %reduce_sum3A_84 = vector.broadcast %reduce_sum3A_83 : i1 to vector<16xi1>
      %reduce_sum3A_85 = tpu.scan <sum>, %sub3A_82 masked %reduce_sum3A_84 : vector<16xf32>, vector<16xi1> -> vector<16xf32>
      %reduce_sum3A_86 = vector.extract %reduce_sum3A_85[15] : f32 from vector<16xf32>
      %mul3A_87 = vector.broadcast %reduce_sum3A_86 : f32 to vector<16xf32>
      %mul3A_88 = arith.mulf %mul3A_87, %broadcast_in_dim3A_3 : vector<16xf32>
      %mul3A_89 = arith.mulf %mul3A_71, %mul3A_77 : vector<16xf32>
      %div3A = arith.divf %mul3A_88, %mul3A_89 : vector<16xf32>
      %swap3A_90 = arith.constant 0 : index
      %swap3A_91 = tpu.vector_load %arg14[%swap3A_90] {strides = array<i32>} : memref<16xf32, #tpu.memory_space<vmem>>, vector<16xf32>,
      tpu.vector_store %arg14[%swap3A_90], %div3A {strides = array<i32>} : memref<16xf32, #tpu.memory_space<vmem>>, vector<16xf32>,
      "tpu.region"() ({
        %run_scoped3A_92 = tpu.sem_alloc : memref<!tpu.dma_semaphore, #tpu.memory_space<semaphore_mem>>
        tpu.enqueue_dma source(%arg14 : memref<16xf32, #tpu.memory_space<vmem>>) target(%arg5 : memref<16xf32, #tpu.memory_space<hbm>>) target_semaphore(%run_scoped3A_92 : memref<!tpu.dma_semaphore, #tpu.memory_space<semaphore_mem>>)
        tpu.wait_dma2 semaphore(%run_scoped3A_92 : memref<!tpu.dma_semaphore, #tpu.memory_space<semaphore_mem>>) src(%arg14 : memref<16xf32, #tpu.memory_space<vmem>>) dst(%arg5 : memref<16xf32, #tpu.memory_space<hbm>>)
        tpu.yield
      }) : () -> ()
    } else {
    }
    return
  }
}

</mosaic_0001>

<sc_bundles>
// kernel: _auc_call.3.cloned.1.call-start
scs
__scs_entry_jumppad:
0x0: {  	(pc) =	sbr.rel $0x88, $3  }
0x1: {  	(tag) =	ssettag $0x0;
	lr =	simm.s32 $0x1  }
0x2: {  	[smem:$0x3F9F] =	sst lr;
	_ =	strace $0xD0000000  }
0x3: {  	_ = 	snop  }
0x4: {  	_ = 	snop  }
0x5: {  	_ = 	snop  }
0x6: {  	_ = 	snop  }
0x7: {  	_ = 	snop  }
__scs_overlays_trampoline_lowered:
0x8: {  	[smem:$0x3FAE] =	sst s0  }
0x9: {  	[smem:$0x3FAF] =	sst s1  }
0xa: {  	[smem:$0x3FB0] =	sst s2  }
0xb: {  	[smem:$0x3FB1] =	sst s3  }
0xc: {  	[smem:$0x3FB2] =	sst s4  }
0xd: {  	[smem:$0x3FB3] =	sst s5  }
0xe: {  	[smem:$0x3FB4] =	sst s6  }
0xf: {  	[smem:$0x3FB5] =	sst s7  }
0x10: {  	[smem:$0x3FB6] =	sst s8  }
0x11: {  	[smem:$0x3FB7] =	sst s9;
	s0 =	simm.s32 @!p0 $0x0  }
0x12: {  	s1 =	sld [smem:$0x3F9D];
	s0 =	simm.s32 @p0 $0x1  }
0x13: {  	[smem:$0x3FB8] =	sst s0;
	s0 =	simm.s32 @!p1 $0x0  }
0x14: {  	s2 =	sld [smem:$0x3F9C];
	s0 =	simm.s32 @p1 $0x1  }
0x15: {  	[smem:$0x3FB9] =	sst s0;
	s0 =	simm.s32 @!p2 $0x0  }
0x16: {  	s3 =	sld [smem:$0x3FDB];
	s0 =	simm.s32 @p2 $0x1  }
0x17: {  	s4 =	simm.s32 $0x1BF5;
	[smem:$0x3FBB] =	sst s0  }
0x18: {  	s0 =	sld [smem:$0x3F9E];
	_ =	swait.ge [sflag:s4], $0x0  }
0x19: {  	s7 =	sld [smem:$0x3F9F]  }
0x1a: {  	s8 =	sadd.s32 $0xFFFFE003, lr  }
0x1b: {  	s9 =	sadd.s32 $0xFFFFFEF7, lr;
	s5 =	simm.s32 $0xFFFFFFFF;
	p2 =	slt.u32 s8, $0xFFFFF086  }
0x1c: {  	p1 =	slt.u32 s9, $0xF7A;
	s5 =	simm.s32 @!p2 $0x0  }
0x1d: {  	s5 =	simm.s32 @p1 $0x1;
	p0 =	seq.s32 s7, s2  }
0x1e: {  	s7 =	smul.u32 @!p0 $0xF7A, s2;
	p2 =	seq.s32 @!p0 s5, $0x0  }
0x1f: {  	s9 =	smul.u32 $0xF7A, s1;
	s8 =	simm.s32 @!p0 $0x1BF5;
	p2 =	por !p2, p0  }
0x20: {  	[sflag:s8] =	ssyncset.s32 @!p0 $0xFFFFF086;
	s6 =	sadd.s32 @!p0 s3, s7;
	s7 =	simm.s32 @!p0 $0x108  }
0x21: {  	s3 =	sadd.s32 s3, s9;
	s6 =	sadd.s32 @!p0 $0x88, s6;
	s7 =	simm.s32 @p2 $0x1082  }
0x22: {  	[simem:s7], [sflag:s8] =	dma.local @!p0 [hbm:s6], $0xF7A  }
0x23: {  	s9 =	sor.u32 $0xD0000000, s2;
	s6 =	simm.s32 $0x108;
	_ =	swait.ge @!p0 [sflag:s8], $0x0  }
0x24: {  	s3 =	sadd.s32 $0x88, s3;
	s6 =	simm.s32 @!p1 $0x1082;
	[sflag:s4] =	ssyncset.s32 $0xFFFFF086  }
0x25: {  	[simem:s6], [sflag:s4] =	dma.local [hbm:s3], $0xF7A  }
0x26: {  	[smem:$0x3F9F] =	sst s1;
	(tag) =	ssettag s2;
	_ =	strace s9  }
0x27: {  	s1 =	sld [smem:$0x3FAF]  }
0x28: {  	s2 =	sld [smem:$0x3FB0]  }
0x29: {  	s4 =	sld [smem:$0x3FB2]  }
0x2a: {  	p0 =	seq.s32 s5, $0x0;
	s5 =	sld [smem:$0x3FB3]  }
0x2b: {  	s6 =	sld [smem:$0x3FB4]  }
0x2c: {  	s7 =	sld [smem:$0x3FB5]  }
0x2d: {  	s3 =	simm.s32 $0x108;
	s8 =	sld [smem:$0x3FB6]  }
0x2e: {  	s3 =	simm.s32 @!p0 $0x1082;
	s9 =	sld [smem:$0x3FB7]  }
0x2f: {  	lr =	sadd.s32 s0, s3;
	s0 =	sld [smem:$0x3FAE]  }
0x30: {  	s3 =	sld [smem:$0x3FB1]  }
0x31: {  	[smem:$0x3FBA] =	sst s10  }
0x32: {  	s10 =	sld [smem:$0x3FB8];
	_ =	sdelay $0x3  }
0x33: {  	p0 =	seq.s32 s10, $0x1;
	s10 =	sld [smem:$0x3FBA];
	_ =	sdelay $0x3  }
0x34: {  	[smem:$0x3FBA] =	sst s10  }
0x35: {  	s10 =	sld [smem:$0x3FB9];
	_ =	sdelay $0x3  }
0x36: {  	p1 =	seq.s32 s10, $0x1;
	s10 =	sld [smem:$0x3FBA];
	_ =	sdelay $0x3  }
0x37: {  	[smem:$0x3FBA] =	sst s10  }
0x38: {  	s10 =	sld [smem:$0x3FBB]  }
0x39: {  	_ = 	snop;
	(pc) =	sbr.ind lr, $3  }
0x3a: {  	_ = 	snop  }
0x3b: {  	_ = 	snop  }
0x3c: {  	p2 =	seq.s32 s10, $0x1;
	s10 =	sld [smem:$0x3FBA]  }
0x3d: {  	_ =	shalt  }
0x3e: {  	_ =	shalt  }
0x3f: {  	_ =	shalt  }
0x40: {  	_ =	shalt  }
0x41: {  	_ =	shalt  }
0x42: {  	_ =	shalt  }
0x43: {  	_ =	shalt  }
0x44: {  	_ =	shalt  }
0x45: {  	_ =	shalt  }
0x46: {  	_ =	shalt  }
0x47: {  	_ =	shalt  }
0x48: {  	_ =	shalt  }
0x49: {  	_ =	shalt  }
0x4a: {  	_ =	shalt  }
0x4b: {  	_ =	shalt  }
0x4c: {  	_ =	shalt  }
0x4d: {  	_ =	shalt  }
0x4e: {  	_ =	shalt  }
0x4f: {  	_ =	shalt  }
0x50: {  	_ =	shalt  }
0x51: {  	_ =	shalt  }
0x52: {  	_ =	shalt  }
0x53: {  	_ =	shalt  }
0x54: {  	_ =	shalt  }
0x55: {  	_ =	shalt  }
0x56: {  	_ =	shalt  }
0x57: {  	_ =	shalt  }
0x58: {  	_ =	shalt  }
0x59: {  	_ =	shalt  }
0x5a: {  	_ =	shalt  }
0x5b: {  	_ =	shalt  }
0x5c: {  	_ =	shalt  }
0x5d: {  	_ =	shalt  }
0x5e: {  	_ =	shalt  }
0x5f: {  	_ =	shalt  }
0x60: {  	_ =	shalt  }
0x61: {  	_ =	shalt  }
0x62: {  	_ =	shalt  }
0x63: {  	_ =	shalt  }
0x64: {  	_ =	shalt  }
0x65: {  	_ =	shalt  }
0x66: {  	_ =	shalt  }
0x67: {  	_ =	shalt  }
0x68: {  	_ =	shalt  }
0x69: {  	_ =	shalt  }
0x6a: {  	_ =	shalt  }
0x6b: {  	_ =	shalt  }
0x6c: {  	_ =	shalt  }
0x6d: {  	_ =	shalt  }
0x6e: {  	_ =	shalt  }
0x6f: {  	_ =	shalt  }
0x70: {  	_ =	shalt  }
0x71: {  	_ =	shalt  }
0x72: {  	_ =	shalt  }
0x73: {  	_ =	shalt  }
0x74: {  	_ =	shalt  }
0x75: {  	_ =	shalt  }
0x76: {  	_ =	shalt  }
0x77: {  	_ =	shalt  }
0x78: {  	_ =	shalt  }
0x79: {  	_ =	shalt  }
0x7a: {  	_ =	shalt  }
0x7b: {  	_ =	shalt  }
0x7c: {  	_ =	shalt  }
0x7d: {  	_ =	shalt  }
0x7e: {  	_ =	shalt  }
0x7f: {  	_ =	shalt  }
0x80: {  	_ =	shalt  }
0x81: {  	_ =	shalt  }
0x82: {  	_ =	shalt  }
0x83: {  	_ =	shalt  }
0x84: {  	_ =	shalt  }
0x85: {  	_ =	shalt  }
0x86: {  	_ =	shalt  }
0x87: {  	_ =	shalt  }
.Lfunc_end0:
.L_simem_size_0:
called_computation_lowered:
.L_overlay_start_0:
0x88: {  	s0 =	sld [smem:$0x3FD9]  }
0x89: {  	s1 =	sld [smem:$0x3FFE];
	_ =	sdelay $0x3  }
0x8a: {  	s0 =	sadd.s32 s1, s0  }
0x8b: {  	[smem:$0x3FC6] =	sst s0  }
0x8c: {  	_ = 	snop  }
0x8d: {  	s0 =	sld [smem:$0x3FC9]  }
0x8e: {  	s16 =	sld [smem:$0x3FC8]  }
0x8f: {  	s2 =	sld [smem:$0x3FD0];
	(tm) =	ssettm $0x1  }
0x90: {  	s3 =	sld [smem:$0x3FFB];
	_ =	sdelay $0x3  }
0x91: {  	_ =	strace s3  }
0x92: {  	s3 =	sld [smem:$0x3FFC];
	_ =	sdelay $0x3  }
0x93: {  	_ =	strace s3  }
0x94: {  	s3 =	sld [smem:$0x3FFD];
	_ =	sdelay $0x3  }
0x95: {  	_ =	strace s3  }
0x96: {  	_ =	strace $0x8FFFFFFF  }
0x97: {  	s17 =	sld [smem:$0x3FDB];
	_ =	sdelay $0x1  }
0x98: {  	s4 =	simm.s32 $_scs_section_size  }
0x99: {  	s5 =	simm.s32 $_size__tile_overlayer_lowered;
	s6 =	simm.s32 $_tile_overlayer_lowered  }
0x9a: {  	s20 =	simm.s32 $0x1BFF;
	s19 =	sshll.u32 s6, $0x1;
	s3 =	sadd.s32 s4, s17  }
0x9b: {  	s7 =	simm.s32 $0x0;
	s18 =	sshll.u32 s5, $0x1;
	s5 =	sadd.s32 s19, s3  }
0x9c: {  	[timem:s7], [sflag:s20] =	dma.local [hbm:s5], s18  }
0x9d: {  	_ =	swait.ge [sflag:s20], s18  }
0x9e: {  	s4 =	ssub.s32 $0x0, s18;
	[sflag:s20] =	ssyncset.done $0x0  }
0x9f: {  	[sflag:s20] =	ssyncadd.s32 s4;
	_ =	sdelay $0x1  }
0xa0: {  	s21 =	simm.s32 $0x1B8B  }
0xa1: {  	_ =	swait.ge [sflag:s21], $0x1  }
0xa2: {  	[sflag:s21] =	ssyncset.done $0x0  }
0xa3: {  	s23 =	simm.s32 $0x1B8E;
	s22 =	sld [smem:$0x3FFE];
	[sflag:s21] =	ssyncadd.s32 $0xFFFFFFFF  }
0xa4: {  	s24 =	simm.s32 $execute0_lowered;
	[smem:$0x3FD2] =	sst s23  }
0xa5: {  	s5 =	sshll.u32 s24, $0x1;
	_ =	strace $0x80000046;
	[dreg:$0x1] =	wrdreg $0xFFFFFFFF  }
0xa6: {  	s25 =	simm.s32 $_size_execute0_lowered;
	s3 =	sadd.s32 s3, s5;
	[dreg:$0x0] =	wrdreg $0x0  }
0xa7: {  	s5 =	sshll.u32 s25, $0x1;
	[dreg:$0x2] =	wrdreg s3  }
0xa8: {  	[dreg:$0x3] =	wrdreg s5  }
0xa9: {  	[dreg:$0x4] =	wrdreg $0xC0  }
0xaa: {  	_ =	task [dreg:s7], $0x5FFFF  }
0xab: {  	[dreg:$0x1] =	wrdreg $0xFFFFFFFF  }
0xac: {  	[dreg:$0x0] =	wrdreg $0x60  }
0xad: {  	[dreg:$0x2] =	wrdreg s0  }
0xae: {  	[dreg:$0x3] =	wrdreg s16  }
0xaf: {  	[dreg:$0x4] =	wrdreg s22  }
0xb0: {  	[dreg:$0x5] =	wrdreg s2  }
0xb1: {  	[dreg:$0x6] =	wrdreg $0x87080  }
0xb2: {  	[dreg:$0x7] =	wrdreg $0x8C080  }
0xb3: {  	[dreg:$0x8] =	wrdreg $0x9  }
0xb4: {  	_ =	task.clear_ibuf [dreg:s7], $0x9FFFF;
	_ =	strace $0x90000046  }
0xb5: {  	s26 =	simm.s32 $0x9;
	_ =	strace $0x80000048  }
0xb6: {  	_ =	swait.ge [sflag:s26], $0x1  }
0xb7: {  	[sflag:s26] =	ssyncadd.s32 $0xFFFFFFFF  }
0xb8: {  	_ =	strace $0x90000048  }
0xb9: {  	_ =	sfence  }
0xba: {  	s28 =	sld [smem:$0x0];
	_ =	sdelay $0x1  }
0xbb: {  	s29 =	srdreg.scid  }
0xbc: {  	s30 =	sshll.u32 s29, $0xD;
	s31 =	sshrl.u32 s29, $0x2  }
0xbd: {  	s1 =	sand.u32 $0x1, s29;
	s2 =	sand.u32 $0x4000, s30;
	s0 =	sadd.s32 s31, s28  }
0xbe: {  	s1 =	sor.u32 s2, s1;
	s0 =	sshll.u32 s0, $0x11  }
0xbf: {  	s0 =	sor.u32 s0, s1  }
0xc0: {  	s0 =	sadd.s32 $0x8F2B, s0  }
0xc1: {  	[sflag:s0] =	ssyncadd.remote.s32 $0x1  }
0xc2: {  	_ =	sfence.sel $0xFFFF  }
0xc3: {  	[dreg:$0x0] =	wrdreg $0xFFFFFFFF;
	(pc) =	sbr.abs _section_cstart, $3  }
0xc4: {  	[dreg:$0x1] =	wrdreg $0xFFFFFFFF  }
0xc5: {  	_ =	task.clear_ibuf [dreg:s7], $0x2FFFF;
	_ =	strace $0x9FFFFFFF  }
0xc6: {  	(tm) =	ssettm $0x7FFFFFFF  }
0xc7: {  	_ =	shalt  }
tec
execute0_lowered:
.L_overlay_start_1:
0x0: {  	(tag) =	ssettag $0x1  }
0x1: {  	s6 =	rddreg [dreg:$0x0]  }
0x2: {  	s5 =	rddreg [dreg:$0x1]  }
0x3: {  	s3 =	rddreg [dreg:$0x2]  }
0x4: {  	s1 =	rddreg [dreg:$0x3]  }
0x5: {  	s4 =	rddreg [dreg:$0x4]  }
0x6: {  	s2 =	rddreg [dreg:$0x5];
	s7 =	simm.s32 $0x0  }
0x7: {  	s8 =	simm.s32 $0x5950;
	v0 =	vimm.f32 $0.0e+00;
	[smem:$0x7FF] =	sst s7  }
0x8: {  	s0 =	rddreg [dreg:$0x6];
	_ =	strace $0x80000047;
	[tilespmem:s8+$0xFFFFD790] =	vst v0  }
0x9: {  	[tilespmem:s8+$0x0] =	vst v0  }
0xa: {  	[tilespmem:s8+$0xFFFFD800] =	vst v0  }
0xb: {  	[tilespmem:s8+$0xFFFFFFF0] =	vst v0  }
0xc: {  	[tilespmem:s8+$0xFFFFD7F0] =	vst v0  }
0xd: {  	[tilespmem:s8+$0xFFFFFFE0] =	vst v0  }
0xe: {  	[tilespmem:s8+$0xFFFFD7E0] =	vst v0  }
0xf: {  	[tilespmem:s8+$0xFFFFFFD0] =	vst v0  }
0x10: {  	[tilespmem:s8+$0xFFFFD7D0] =	vst v0  }
0x11: {  	[tilespmem:s8+$0xFFFFFFC0] =	vst v0  }
0x12: {  	[tilespmem:s8+$0xFFFFD7C0] =	vst v0  }
0x13: {  	[tilespmem:s8+$0xFFFFFFB0] =	vst v0  }
0x14: {  	[tilespmem:s8+$0xFFFFD7B0] =	vst v0  }
0x15: {  	[tilespmem:s8+$0xFFFFFFA0] =	vst v0  }
0x16: {  	s9 =	simm.s32 $0x0;
	s7 =	sadd.s32 $0x400, s3;
	s3 =	stileid.u32;
	[tilespmem:s8+$0xFFFFD7A0] =	vst v0  }
.LBB2_1:
0x17: {  	s9 =	sadd.s32 $0x8, s9;
	[tilespmem:s8+$0xFFFFFF90] =	vst v0;
	s8 =	sadd.s32 $0x80, s8  }
0x18: {  	[tilespmem:s8+$0xFFFFD790] =	vst v0;
	p0 =	slt.u32 s9, $0x278  }
0x19: {  	[tilespmem:s8+$0x0] =	vst v0  }
0x1a: {  	[tilespmem:s8+$0xFFFFD800] =	vst v0  }
0x1b: {  	[tilespmem:s8+$0xFFFFFFF0] =	vst v0  }
0x1c: {  	[tilespmem:s8+$0xFFFFD7F0] =	vst v0  }
0x1d: {  	[tilespmem:s8+$0xFFFFFFE0] =	vst v0  }
0x1e: {  	[tilespmem:s8+$0xFFFFD7E0] =	vst v0  }
0x1f: {  	[tilespmem:s8+$0xFFFFFFD0] =	vst v0  }
0x20: {  	[tilespmem:s8+$0xFFFFD7D0] =	vst v0  }
0x21: {  	[tilespmem:s8+$0xFFFFFFC0] =	vst v0  }
.Ltmp0:
0x22: {  	[tilespmem:s8+$0xFFFFD7C0] =	vst v0;
	(pc) =	sbr.rel @p0 .LBB2_1-.Ltmp0, $4  }
0x23: {  	[tilespmem:s8+$0xFFFFFFB0] =	vst v0  }
0x24: {  	[tilespmem:s8+$0xFFFFD7B0] =	vst v0  }
0x25: {  	[tilespmem:s8+$0xFFFFFFA0] =	vst v0  }
0x26: {  	[tilespmem:s8+$0xFFFFD7A0] =	vst v0  }
0x27: {  	p0 =	seq.s32 s3, $0xF  }
0x28: {  	[tilespmem:s8+$0xFFFFFF90] =	vst v0;
	s8 =	sadd.s32 @p0 $0x2DD2, s6;
	s9 =	simm.s32 @p0 $0x1;
	s10 =	simm.s32 @p0 $0x0  }
0x29: {  	[tilespmem:s10], [sflag:$0x1] =	stream.linear.gather @p0 [hbm4b:s8+s10], $0x1810, $0x38;
	[tilespmem:$0x8C18] =	vst v63  }
0x2a: {  	_ =	swait.ge @p0 [sflag:s9], $0x1810  }
0x2b: {  	[sflag:s9] =	ssyncset.done @p0 $0x0  }
0x2c: {  	s11 =	simm.s32 @p0 $0x1870;
	s8 =	sadd.s32 @p0 $0x2DD2, s5;
	[sflag:s9] =	ssyncadd.s32 @p0 $0xFFFFE7F0  }
0x2d: {  	[tilespmem:s11], [sflag:$0x1] =	stream.linear.gather @p0 [hbm4b:s8+s10], $0x1810, $0x38;
	[tilespmem:$0x8C18] =	vst v63  }
0x2e: {  	s8 =	smul.u32 @!p0 $0x30E, s3;
	_ =	swait.ge @p0 [sflag:s9], $0x1810  }
0x2f: {  	s10 =	simm.s32 @!p0 $0x0;
	[sflag:s9] =	ssyncset.done @p0 $0x0  }
0x30: {  	s6 =	sadd.s32 @!p0 s6, s8;
	[sflag:s9] =	ssyncadd.s32 @p0 $0xFFFFE7F0;
	s9 =	simm.s32 @!p0 $0x1  }
0x31: {  	[tilespmem:s10], [sflag:$0x1] =	stream.linear.gather @!p0 [hbm4b:s6+s10], $0x1870, $0x38;
	[tilespmem:$0x8C18] =	vst v63  }
0x32: {  	_ =	swait.ge @!p0 [sflag:s9], $0x1870  }
0x33: {  	[sflag:s9] =	ssyncset.done @!p0 $0x0  }
0x34: {  	s5 =	sadd.s32 @!p0 s5, s8;
	s6 =	simm.s32 @!p0 $0x1870;
	[sflag:s9] =	ssyncadd.s32 @!p0 $0xFFFFE790  }
0x35: {  	[tilespmem:s6], [sflag:$0x1] =	stream.linear.gather @!p0 [hbm4b:s5+s10], $0x1870, $0x38;
	[tilespmem:$0x8C18] =	vst v63  }
0x36: {  	s28 =	smul.u32 $0xA00, s3;
	_ =	swait.ge @!p0 [sflag:s9], $0x1870  }
0x37: {  	s29 =	simm.s32 $0x0;
	s30 =	simm.s32 $0x80E0;
	[sflag:s9] =	ssyncset.done @!p0 $0x0  }
.Ltmp1:
0x38: {  	s31 =	simm.s32 $0x1;
	[sflag:s9] =	ssyncadd.s32 @!p0 $0xFFFFE790;
	(pc) =	sbr.rel @p0 .LBB2_7-.Ltmp1, $4  }
0x39: {  	[tilespmem:s30], [sflag:$0x1] =	stream.linear.gather [hbm4b:s7+s29], $0x8, $0x38;
	[tilespmem:$0x8C18] =	vst v63  }
0x3a: {  	s5 =	sshrl.u32 s28, $0x2;
	_ =	swait.ge [sflag:s31], $0x8  }
0x3b: {  	s6 =	sadd.s32 s5, s4;
	[sflag:s31] =	ssyncset.done $0x0  }
0x3c: {  	s5 =	sshll.u32 s3, $0x4;
	s7 =	sadd.s32 $0x2800, s6;
	[sflag:s31] =	ssyncadd.s32 $0xFFFFFFF8  }
0x3d: {  	p0 =	sne.s32 s3, $0x0  }
0x3e: {  	s8 =	simm.s32 @!p0 $0x30E0  }
0x3f: {  	[spmem:s4] =	stream.linear.scatter @!p0 [tilespmem:s8], [sflag:$0x1], $0x5000, $0x38;
	[tilespmem:$0x8C18] =	vst v63  }
0x40: {  	s8 =	simm.s32 @!p0 $0x1  }
0x41: {  	_ =	swait.ge @!p0 [sflag:s8], $0x5000  }
0x42: {  	[sflag:s8] =	ssyncset.done @!p0 $0x0  }
0x43: {  	s26 =	simm.s32 $0x20;
	[sflag:s8] =	ssyncadd.s32 @!p0 $0xFFFFB000  }
0x44: {  	v0 =	vld [tilespmem:s26+$0x10];
	_ =	sdelay $0x4  }
0x45: {  	v1 =	vld [tilespmem:s26+$0xFFFFFFF0];
	v0 =	vsub.f32 $0.0e+00, v0  }
0x46: {  	v2 =	vld [tilespmem:s26+$0x0]  }
0x47: {  	v3 =	vld [tilespmem:s26+$0xFFFFFFE0];
	v0 =	vmul.f32 $1.442695020e+00, v0;
	_ =	sdelay $0x1  }
0x48: {  	(erf) = vpow2.f32 v0  }
0x49: {  	v0 =	vsub.f32 $0.0e+00, v1  }
0x4a: {  	v1 =	vsub.f32 $0.0e+00, v2  }
0x4b: {  	s28 =	simm.s32 $0x60;
	v2 =	vsub.f32 $0.0e+00, v3;
	v0 =	vmul.f32 $1.442695020e+00, v0  }
0x4c: {  	v3 =	vld [tilespmem:s28+$0x10];
	v1 =	vmul.f32 $1.442695020e+00, v1  }
0x4d: {  	v2 =	vmul.f32 $1.442695020e+00, v2;
	(erf) = vpow2.f32 v0  }
0x4e: {  	(erf) = vpow2.f32 v1  }
0x4f: {  	(erf) = vpow2.f32 v2  }
0x50: {  	v0 =	vld [tilespmem:s28+$0xFFFFFFF0]  }
0x51: {  	v1 =	vld [tilespmem:s28+$0x0];
	v3 =	vsub.f32 $0.0e+00, v3;
	v2 =	vpop (erf)  }
0x52: {  	v4 =	vld [tilespmem:s28+$0xFFFFFFE0];
	v2 =	vadd.f32 $1.000000000e+00, v2  }
0x53: {  	v3 =	vmul.f32 $1.442695020e+00, v3  }
0x54: {  	(erf) = vrcp.f32 v2  }
0x55: {  	v0 =	vsub.f32 $0.0e+00, v0;
	(erf) = vpow2.f32 v3  }
0x56: {  	v1 =	vsub.f32 $0.0e+00, v1;
	v2 =	vpop (erf)  }
0x57: {  	s9 =	simm.s32 $0xA0;
	v0 =	vmul.f32 $1.442695020e+00, v0;
	v3 =	vsub.f32 $0.0e+00, v4;
	v4 =	vpop (erf)  }
0x58: {  	s29 =	simm.s32 $0x1890;
	v7 =	vld [tilespmem:s9+$0xFFFFFFE0];
	v1 =	vmul.f32 $1.442695020e+00, v1;
	v5 =	vpop (erf)  }
0x59: {  	v10 =	vld [tilespmem:s29+$0xFFFFFFF0];
	v3 =	vmul.f32 $1.442695020e+00, v3;
	(erf) = vpow2.f32 v0;
	v0 =	vadd.f32 $1.000000000e+00, v5  }
0x5a: {  	s31 =	simm.s32 $0xE0;
	(erf) = vpow2.f32 v1;
	v1 =	vadd.f32 $1.000000000e+00, v2;
	v2 =	vld [tilespmem:s9+$0x10]  }
0x5b: {  	v14 =	vld [tilespmem:s31+$0x0];
	(erf) = vpow2.f32 v3  }
0x5c: {  	v3 =	vadd.f32 $1.000000000e+00, v4;
	v4 =	vld [tilespmem:s9+$0xFFFFFFF0];
	(erf) = vrcp.f32 v0  }
0x5d: {  	v5 =	vld [tilespmem:s29+$0x10];
	(erf) = vrcp.f32 v1;
	v0 =	vpop (erf)  }
0x5e: {  	s30 =	simm.s32 $0x18D0;
	v6 =	vld [tilespmem:s9+$0x0];
	(erf) = vrcp.f32 v3;
	v1 =	vpop (erf)  }
0x5f: {  	v17 =	vld [tilespmem:s30+$0xFFFFFFE0];
	v2 =	vsub.f32 $0.0e+00, v2;
	v3 =	vmul.f32 $1.000000000e+04, v0;
	v8 =	vadd.f32 $1.000000000e+00, v1  }
0x60: {  	v18 =	vld [tilespmem:s30+$0xFFFFFFF0];
	v7 =	vsub.f32 $0.0e+00, v7;
	vm1 =	vge.f32 v10, $5.000000000e-01;
	v14 =	vsub.f32 $0.0e+00, v14  }
0x61: {  	v4 =	vsub.f32 $0.0e+00, v4;
	v2 =	vmul.f32 $1.442695020e+00, v2;
	v3 =	vtrunc.f32 v3  }
0x62: {  	vm0 =	vge.f32 v5, $5.000000000e-01;
	v3 =	vcvt.f32.s32 v3;
	(erf) = vrcp.f32 v8  }
0x63: {  	v5 =	vsub.f32 $0.0e+00, v6;
	v1 =	vimm.s32 $0x0;
	(erf) = vpow2.f32 v2;
	v8 =	vpop (erf)  }
0x64: {  	vm13 =	vge.f32 v17, $5.000000000e-01;
	v6 =	vld [tilespmem:s29+$0xFFFFFFE0];
	v4 =	vmul.f32 $1.442695020e+00, v4;
	v11 =	vsel vm0, $0x2800, v1;
	v9 =	vpop (erf)  }
0x65: {  	vm14 =	vge.f32 v18, $5.000000000e-01;
	v7 =	vmul.f32 $1.442695020e+00, v7;
	v5 =	vmul.f32 $1.442695020e+00, v5;
	v12 =	vpop (erf)  }
0x66: {  	v14 =	vmul.f32 $1.442695020e+00, v14;
	v2 =	vld [tilespmem:s29+$0x0];
	v13 =	vadd.s32 v3, v11;
	(erf) = vpow2.f32 v4;
	v3 =	vpop (erf)  }
0x67: {  	v8 =	vadd.f32 $1.000000000e+00, v8;
	(erf) = vpow2.f32 v5;
	v4 =	vadd.f32 $1.000000000e+00, v12;
	v11 =	vpop (erf)  }
0x68: {  	v10 =	vld [tilespmem:s31+$0x10];
	v5 =	vadd.f32 $1.000000000e+00, v9;
	v3 =	vmul.f32 $1.000000000e+04, v3;
	(erf) = vpow2.f32 v7;
	v9 =	vpop (erf)  }
0x69: {  	vm11 =	vge.f32 v6, $5.000000000e-01;
	(erf) = vrcp.f32 v4;
	v6 =	vmul.f32 $1.000000000e+04, v9;
	v9 =	vld [tilespmem:s30+$0x10]  }
0x6a: {  	v0 =	vimm.f32 $1.000000000e+00;
	v7 =	vmul.f32 $1.000000000e+04, v11;
	(erf) = vrcp.f32 v8  }
0x6b: {  	vm2 =	vge.f32 v2, $5.000000000e-01;
	v11 =	vld [tilespmem:s31+$0xFFFFFFF0];
	v8 =	vtrunc.f32 v3;
	(erf) = vrcp.f32 v5;
	v2 =	vpop (erf)  }
0x6c: {  	v4 =	vsel vm11, $0x2800, v1;
	v5 =	vtrunc.f32 v7;
	v12 =	vmul.f32 $1.000000000e+04, v2;
	v15 =	vpop (erf)  }
0x6d: {  	v7 =	vcvt.f32.s32 v8;
	v8 =	vld [tilespmem:s31+$0xFFFFFFE0];
	v6 =	vtrunc.f32 v6;
	v15 =	vadd.f32 $1.000000000e+00, v15  }
0x6e: {  	v12 =	vtrunc.f32 v12;
	vm12 =	vge.f32 v9, $5.000000000e-01;
	v9 =	vsub.f32 $0.0e+00, v10  }
0x6f: {  	v3 =	vsel vm1, $0x2800, v1;
	v5 =	vcvt.f32.s32 v5;
	v12 =	vcvt.f32.s32 v12  }
0x70: {  	v16 =	vpop (erf);
	v11 =	vsub.f32 $0.0e+00, v11;
	(erf) = vrcp.f32 v15;
	v15 =	vld [tilespmem:s30+$0x0];
	v9 =	vmul.f32 $1.442695020e+00, v9  }
0x71: {  	v2 =	vsel vm2, $0x2800, v1;
	v10 =	vadd.f32 $1.000000000e+00, v16;
	v19 =	vsel vm12, $0x2800, v1  }
0x72: {  	v16 =	vpop (erf);
	v8 =	vsub.f32 $0.0e+00, v8;
	v63 =	vmul.f32 $1.442695020e+00, v11;
	v12 =	vadd.s32 v12, v19  }
0x73: {  	v6 =	vcvt.f32.s32 v6;
	v11 =	vadd.f32 $1.000000000e+00, v16;
	v20 =	vpop (erf);
	(erf) = vpow2.f32 v9  }
0x74: {  	v62 =	vadd.f32 $1.000000000e+00, v20;
	v8 =	vmul.f32 $1.442695020e+00, v8;
	v9 =	vpop (erf);
	(erf) = vpow2.f32 v63  }
0x75: {  	s8 =	simm.s32 $0x30E0;
	vm15 =	vge.f32 v15, $5.000000000e-01;
	v16 =	vpop (erf);
	(erf) = vpow2.f32 v14;
	v17 =	vmul.f32 $1.000000000e+04, v9  }
0x76: {  	[tilespmem:v13+s8+$0x0] =	vst.idx.add.f32.msk $0xffff, v0;
	v9 =	vsel vm14, $0x2800, v1;
	v13 =	vpop (erf);
	(erf) = vpow2.f32 v8;
	v14 =	vmul.f32 $1.000000000e+04, v16  }
0x77: {  	s9 =	simm.s32 $0x1910;
	[tilespmem:v12+s8+$0x0] =	vst.idx.add.f32.msk $0xffff, v0;
	v8 =	vsel vm13, $0x2800, v1;
	(erf) = vrcp.f32 v62;
	v13 =	vmul.f32 $1.000000000e+04, v13  }
0x78: {  	s10 =	simm.s32 $0xC;
	s11 =	simm.s32 $0x120;
	v12 =	vld [tilespmem:s9+$0x10];
	v15 =	vtrunc.f32 v17;
	(erf) = vrcp.f32 v10;
	v10 =	vsel vm15, $0x2800, v1  }
.LBB2_4:
0x79: {  	v16 =	vld [tilespmem:s11+$0x10];
	s10 =	sadd.s32 $0x4, s10;
	(erf) = vrcp.f32 v11;
	v11 =	vpop (erf);
	v14 =	vtrunc.f32 v14;
	v17 =	vadd.s32 v7, v4  }
0x7a: {  	v13 =	vtrunc.f32 v13;
	v19 =	vadd.s32 v5, v3;
	v4 =	vmovc v8;
	v3 =	vmovc v9;
	v18 =	vld [tilespmem:s11+$0xFFFFFFF0];
	p0 =	slt.u32 s10, $0x180;
	v11 =	vmul.f32 $1.000000000e+04, v11  }
0x7b: {  	v7 =	vcvt.f32.s32 v15;
	v9 =	vadd.s32 v6, v2;
	v2 =	vmovc v10;
	v5 =	vcvt.f32.s32 v14;
	v8 =	vld [tilespmem:s11+$0x0]  }
0x7c: {  	v6 =	vcvt.f32.s32 v13;
	v10 =	vld [tilespmem:s11+$0xFFFFFFE0];
	v14 =	vpop (erf);
	v11 =	vtrunc.f32 v11  }
0x7d: {  	v13 =	vadd.f32 $1.000000000e+00, v14;
	v14 =	vpop (erf);
	v15 =	vld [tilespmem:s9+$0xFFFFFFE0];
	v11 =	vcvt.f32.s32 v11;
	vm0 =	vge.f32 v12, $5.000000000e-01  }
0x7e: {  	v12 =	vsub.f32 $0.0e+00, v16;
	v16 =	vadd.f32 $1.000000000e+00, v14;
	v14 =	vpop (erf);
	v20 =	vld [tilespmem:s9+$0xFFFFFFF0];
	v21 =	vsel vm0, $0x2800, v1  }
0x7f: {  	v18 =	vsub.f32 $0.0e+00, v18;
	v22 =	vpop (erf);
	(erf) = vrcp.f32 v13;
	v13 =	vld [tilespmem:s9+$0x0];
	v21 =	vadd.s32 v11, v21  }
0x80: {  	v8 =	vsub.f32 $0.0e+00, v8;
	v24 =	vmul.f32 $1.442695020e+00, v12;
	v22 =	vadd.f32 $1.000000000e+00, v22;
	v23 =	vpop (erf);
	[tilespmem:v17+s8+$0x0] =	vst.idx.add.f32.msk $0xffff, v0  }
0x81: {  	v11 =	vadd.f32 $1.000000000e+00, v14;
	v10 =	vsub.f32 $0.0e+00, v10;
	v17 =	vmul.f32 $1.442695020e+00, v18;
	v14 =	vpop (erf);
	[tilespmem:v19+s8+$0x0] =	vst.idx.add.f32.msk $0xffff, v0  }
0x82: {  	v8 =	vmul.f32 $1.442695020e+00, v8;
	(erf) = vpow2.f32 v24;
	vm0 =	vge.f32 v15, $5.000000000e-01;
	v12 =	vpop (erf);
	[tilespmem:v9+s8+$0x0] =	vst.idx.add.f32.msk $0xffff, v0  }
.Ltmp2:
0x83: {  	v9 =	vmul.f32 $1.442695020e+00, v10;
	(erf) = vpow2.f32 v17;
	vm1 =	vge.f32 v20, $5.000000000e-01;
	(pc) =	sbr.rel @p0 .LBB2_4-.Ltmp2, $4  }
0x84: {  	v10 =	vmul.f32 $1.000000000e+04, v23;
	(erf) = vpow2.f32 v8;
	vm2 =	vge.f32 v13, $5.000000000e-01;
	[tilespmem:v21+s8+$0x0] =	vst.idx.add.f32.msk $0xffff, v0  }
0x85: {  	v14 =	vmul.f32 $1.000000000e+04, v14;
	v8 =	vsel vm0, $0x2800, v1;
	(erf) = vpow2.f32 v9  }
0x86: {  	s9 =	sadd.s32 $0x40, s9;
	v13 =	vmul.f32 $1.000000000e+04, v12;
	v9 =	vsel vm1, $0x2800, v1;
	(erf) = vrcp.f32 v22  }
0x87: {  	s11 =	sadd.s32 $0x40, s11;
	v15 =	vtrunc.f32 v10;
	v10 =	vsel vm2, $0x2800, v1;
	v12 =	vld [tilespmem:s9+$0x10];
	(erf) = vrcp.f32 v16  }
0x88: {  	_ =	sdelay $0x1  }
0x89: {  	v16 =	vpop (erf);
	(erf) = vrcp.f32 v11  }
0x8a: {  	v38 =	vtrunc.f32 v14;
	v17 =	vpop (erf)  }
0x8b: {  	v4 =	vadd.s32 v7, v4;
	v13 =	vtrunc.f32 v13;
	v3 =	vadd.s32 v5, v3;
	v39 =	vpop (erf)  }
0x8c: {  	v41 =	vld [tilespmem:s9+$0xFFFFFFE0];
	v15 =	vcvt.f32.s32 v15;
	v40 =	vmul.f32 $1.000000000e+04, v16;
	v17 =	vadd.f32 $1.000000000e+00, v17;
	v42 =	vpop (erf)  }
0x8d: {  	v2 =	vadd.s32 v6, v2;
	v43 =	vld [tilespmem:s9+$0xFFFFFFF0];
	v11 =	vcvt.f32.s32 v38;
	v13 =	vcvt.f32.s32 v13;
	v44 =	vpop (erf)  }
0x8e: {  	v18 =	vld [tilespmem:s9+$0x0];
	v8 =	vadd.s32 v15, v8;
	(erf) = vrcp.f32 v17;
	v17 =	vadd.f32 $1.000000000e+00, v44  }
0x8f: {  	s31 =	sadd.s32 $0x40, s9;
	v14 =	vtrunc.f32 v40;
	v9 =	vadd.s32 v11, v9;
	v7 =	vadd.f32 $1.000000000e+00, v39  }
0x90: {  	v48 =	vld [tilespmem:s31+$0x10];
	v10 =	vadd.s32 v13, v10;
	v16 =	vadd.f32 $1.000000000e+00, v42;
	v19 =	vpop (erf);
	(erf) = vrcp.f32 v17  }
0x91: {  	v53 =	vld [tilespmem:s31+$0xFFFFFFE0];
	v14 =	vcvt.f32.s32 v14;
	vm0 =	vge.f32 v12, $5.000000000e-01;
	v45 =	vpop (erf);
	(erf) = vrcp.f32 v7  }
0x92: {  	v54 =	vld [tilespmem:s31+$0xFFFFFFF0];
	v12 =	vsel vm0, $0x2800, v1;
	vm11 =	vge.f32 v41, $5.000000000e-01;
	v46 =	vpop (erf);
	(erf) = vrcp.f32 v16  }
0x93: {  	v57 =	vld [tilespmem:s31+$0x0];
	vm1 =	vge.f32 v43, $5.000000000e-01;
	vm2 =	vge.f32 v18, $5.000000000e-01;
	v12 =	vadd.s32 v14, v12  }
0x94: {  	v49 =	vsel vm11, $0x2800, v1;
	v51 =	vsel vm1, $0x2800, v1;
	v47 =	vmul.f32 $1.000000000e+04, v19  }
0x95: {  	v55 =	vsel vm2, $0x2800, v1;
	vm12 =	vge.f32 v48, $5.000000000e-01;
	v14 =	vmul.f32 $1.000000000e+04, v45  }
0x96: {  	vm13 =	vge.f32 v53, $5.000000000e-01;
	v5 =	vmul.f32 $1.000000000e+04, v46;
	v6 =	vtrunc.f32 v47  }
0x97: {  	vm14 =	vge.f32 v54, $5.000000000e-01;
	v14 =	vtrunc.f32 v14;
	v6 =	vcvt.f32.s32 v6;
	v50 =	vpop (erf)  }
0x98: {  	vm15 =	vge.f32 v57, $5.000000000e-01;
	v5 =	vtrunc.f32 v5;
	v52 =	vmul.f32 $1.000000000e+04, v50  }
0x99: {  	[tilespmem:v4+s8+$0x0] =	vst.idx.add.f32.msk $0xffff, v0;
	v61 =	vsel vm13, $0x2800, v1;
	v58 =	vcvt.f32.s32 v14;
	v5 =	vcvt.f32.s32 v5;
	v59 =	vpop (erf)  }
0x9a: {  	[tilespmem:v3+s8+$0x0] =	vst.idx.add.f32.msk $0xffff, v0;
	v7 =	vsel vm12, $0x2800, v1;
	v56 =	vtrunc.f32 v52;
	v3 =	vpop (erf);
	v60 =	vmul.f32 $1.000000000e+04, v59  }
0x9b: {  	[tilespmem:v2+s8+$0x0] =	vst.idx.add.f32.msk $0xffff, v0;
	v6 =	vadd.s32 v6, v49;
	v13 =	vcvt.f32.s32 v56;
	v2 =	vpop (erf);
	v3 =	vmul.f32 $1.000000000e+04, v3  }
0x9c: {  	[tilespmem:v8+s8+$0x0] =	vst.idx.add.f32.msk $0xffff, v0;
	v4 =	vadd.s32 v58, v51;
	v2 =	vmul.f32 $1.000000000e+04, v2;
	v11 =	vtrunc.f32 v60  }
0x9d: {  	[tilespmem:v9+s8+$0x0] =	vst.idx.add.f32.msk $0xffff, v0;
	v5 =	vadd.s32 v5, v55;
	v3 =	vtrunc.f32 v3;
	v62 =	vcvt.f32.s32 v11  }
0x9e: {  	[tilespmem:v10+s8+$0x0] =	vst.idx.add.f32.msk $0xffff, v0;
	v7 =	vadd.s32 v13, v7;
	v2 =	vtrunc.f32 v2;
	v3 =	vcvt.f32.s32 v3  }
0x9f: {  	v63 =	vsel vm14, $0x2800, v1;
	[tilespmem:v12+s8+$0x0] =	vst.idx.add.f32.msk $0xffff, v0;
	v2 =	vcvt.f32.s32 v2;
	v8 =	vadd.s32 v62, v61  }
0xa0: {  	v1 =	vsel vm15, $0x2800, v1;
	[tilespmem:v6+s8+$0x0] =	vst.idx.add.f32.msk $0xffff, v0;
	v3 =	vadd.s32 v3, v63  }
0xa1: {  	[tilespmem:v4+s8+$0x0] =	vst.idx.add.f32.msk $0xffff, v0;
	v1 =	vadd.s32 v2, v1  }
0xa2: {  	[tilespmem:v5+s8+$0x0] =	vst.idx.add.f32.msk $0xffff, v0  }
0xa3: {  	[tilespmem:v7+s8+$0x0] =	vst.idx.add.f32.msk $0xffff, v0  }
0xa4: {  	[tilespmem:v8+s8+$0x0] =	vst.idx.add.f32.msk $0xffff, v0  }
0xa5: {  	[tilespmem:v3+s8+$0x0] =	vst.idx.add.f32.msk $0xffff, v0  }
0xa6: {  	s9 =	simm.s32 $0x30E0;
	[tilespmem:v1+s8+$0x0] =	vst.idx.add.f32.msk $0xffff, v0;
	s8 =	simm.s32 $0x0;
	v0 =	vimm.f32 $1.000000000e+00;
	v1 =	vimm.s32 $0x0  }
.LBB2_6:
0xa7: {  	s10 =	sshra.s32 s8, $0x2  }
0xa8: {  	v2 =	vld [tilespmem:s10+$0x1840];
	_ =	sdelay $0x4  }
0xa9: {  	v2 =	vsub.f32 $0.0e+00, v2;
	_ =	sdelay $0x1  }
0xaa: {  	v2 =	vmul.f32 $1.442695020e+00, v2;
	_ =	sdelay $0x1  }
0xab: {  	(erf) = vpow2.f32 v2;
	_ =	sdelay $0x8  }
0xac: {  	v2 =	vpop (erf)  }
0xad: {  	v2 =	vadd.f32 $1.000000000e+00, v2;
	_ =	sdelay $0x1  }
0xae: {  	(erf) = vrcp.f32 v2;
	_ =	sdelay $0x7  }
0xaf: {  	v2 =	vld [tilespmem:s10+$0x30B0]  }
0xb0: {  	v3 =	vpop (erf)  }
0xb1: {  	v3 =	vmul.f32 $1.000000000e+04, v3;
	_ =	sdelay $0x1  }
0xb2: {  	v3 =	vtrunc.f32 v3  }
0xb3: {  	vm0 =	vge.f32 v2, $5.000000000e-01;
	v3 =	vcvt.f32.s32 v3  }
0xb4: {  	v2 =	vsel vm0, $0x2800, v1  }
0xb5: {  	p0 =	seq.s32 s8, $0x80;
	v2 =	vadd.s32 v3, v2  }
.Ltmp3:
0xb6: {  	_ = 	snop;
	(pc) =	sbr.rel @!p0 .LBB2_6-.Ltmp3, $2  }
0xb7: {  	_ =	sdelay $0x2  }
0xb8: {  	s8 =	sadd.s32 $0x40, s8;
	[tilespmem:v2+s9+$0x0] =	vst.idx.add.f32.msk $0xffff, v0  }
.Ltmp4:
0xb9: {  	_ = 	snop;
	(pc) =	sbr.rel .LBB2_10-.Ltmp4, $1  }
0xba: {  	_ =	sdelay $0x3  }
.LBB2_7:
0xbb: {  	s10 =	simm.s32 $0x20  }
0xbc: {  	v2 =	vld [tilespmem:s10+$0x10];
	_ =	sdelay $0x4  }
0xbd: {  	v3 =	vld [tilespmem:s10+$0xFFFFFFF0];
	v2 =	vsub.f32 $0.0e+00, v2  }
0xbe: {  	v4 =	vld [tilespmem:s10+$0x0]  }
0xbf: {  	v5 =	vld [tilespmem:s10+$0xFFFFFFE0];
	v2 =	vmul.f32 $1.442695020e+00, v2;
	_ =	sdelay $0x1  }
0xc0: {  	(erf) = vpow2.f32 v2;
	_ =	sdelay $0x1  }
0xc1: {  	v2 =	vsub.f32 $0.0e+00, v3  }
0xc2: {  	s28 =	simm.s32 $0x60;
	v3 =	vsub.f32 $0.0e+00, v4;
	v4 =	vsub.f32 $0.0e+00, v5  }
0xc3: {  	v5 =	vld [tilespmem:s28+$0x10];
	v2 =	vmul.f32 $1.442695020e+00, v2  }
0xc4: {  	v3 =	vmul.f32 $1.442695020e+00, v3;
	v4 =	vmul.f32 $1.442695020e+00, v4  }
0xc5: {  	(erf) = vpow2.f32 v2  }
0xc6: {  	(erf) = vpow2.f32 v3  }
0xc7: {  	v2 =	vld [tilespmem:s28+$0xFFFFFFF0];
	(erf) = vpow2.f32 v4  }
0xc8: {  	v3 =	vld [tilespmem:s28+$0x0];
	v5 =	vsub.f32 $0.0e+00, v5;
	v4 =	vpop (erf)  }
0xc9: {  	v6 =	vld [tilespmem:s28+$0xFFFFFFE0];
	v4 =	vadd.f32 $1.000000000e+00, v4  }
0xca: {  	v5 =	vmul.f32 $1.442695020e+00, v5  }
0xcb: {  	(erf) = vrcp.f32 v4  }
0xcc: {  	v2 =	vsub.f32 $0.0e+00, v2;
	(erf) = vpow2.f32 v5  }
0xcd: {  	v3 =	vsub.f32 $0.0e+00, v3  }
0xce: {  	v2 =	vmul.f32 $1.442695020e+00, v2;
	v5 =	vsub.f32 $0.0e+00, v6;
	v4 =	vpop (erf)  }
0xcf: {  	v3 =	vmul.f32 $1.442695020e+00, v3;
	v6 =	vpop (erf)  }
0xd0: {  	s9 =	simm.s32 $0x1890;
	v5 =	vmul.f32 $1.442695020e+00, v5;
	(erf) = vpow2.f32 v2;
	v4 =	vadd.f32 $1.000000000e+00, v4;
	v7 =	vpop (erf)  }
0xd1: {  	v10 =	vld [tilespmem:s9+$0xFFFFFFF0];
	(erf) = vpow2.f32 v3;
	v2 =	vadd.f32 $1.000000000e+00, v7  }
0xd2: {  	s29 =	simm.s32 $0xA0;
	v3 =	vld [tilespmem:s9+$0x10];
	(erf) = vpow2.f32 v5  }
0xd3: {  	v5 =	vld [tilespmem:s29+$0x10];
	(erf) = vrcp.f32 v2  }
0xd4: {  	v6 =	vadd.f32 $1.000000000e+00, v6;
	v2 =	vld [tilespmem:s29+$0xFFFFFFF0];
	(erf) = vrcp.f32 v4;
	v4 =	vpop (erf)  }
0xd5: {  	v7 =	vld [tilespmem:s29+$0x0];
	v8 =	vpop (erf)  }
0xd6: {  	(erf) = vrcp.f32 v6;
	v6 =	vld [tilespmem:s29+$0xFFFFFFE0];
	v4 =	vmul.f32 $1.000000000e+04, v4;
	v8 =	vadd.f32 $1.000000000e+00, v8  }
0xd7: {  	v0 =	vimm.f32 $1.000000000e+00  }
0xd8: {  	v1 =	vimm.s32 $0x0;
	s31 =	simm.s32 $0xE0;
	v5 =	vsub.f32 $0.0e+00, v5;
	v4 =	vtrunc.f32 v4  }
0xd9: {  	s30 =	simm.s32 $0x18D0;
	v14 =	vld [tilespmem:s31+$0xFFFFFFE0];
	v2 =	vsub.f32 $0.0e+00, v2;
	v4 =	vcvt.f32.s32 v4;
	(erf) = vrcp.f32 v8  }
0xda: {  	v17 =	vld [tilespmem:s30+$0xFFFFFFE0];
	vm0 =	vge.f32 v3, $5.000000000e-01;
	v3 =	vsub.f32 $0.0e+00, v7;
	v5 =	vmul.f32 $1.442695020e+00, v5;
	v8 =	vpop (erf)  }
0xdb: {  	vm1 =	vge.f32 v10, $5.000000000e-01;
	v10 =	vld [tilespmem:s31+$0xFFFFFFF0];
	v6 =	vsub.f32 $0.0e+00, v6;
	v2 =	vmul.f32 $1.442695020e+00, v2;
	v9 =	vpop (erf)  }
0xdc: {  	v11 =	vsel vm0, $0x2800, v1;
	v3 =	vmul.f32 $1.442695020e+00, v3;
	(erf) = vpow2.f32 v5;
	v12 =	vpop (erf)  }
0xdd: {  	v7 =	vld [tilespmem:s9+$0xFFFFFFE0];
	v13 =	vadd.s32 v4, v11;
	v6 =	vmul.f32 $1.442695020e+00, v6;
	(erf) = vpow2.f32 v2;
	v4 =	vpop (erf)  }
0xde: {  	v5 =	vld [tilespmem:s9+$0x0];
	(erf) = vpow2.f32 v3;
	v2 =	vadd.f32 $1.000000000e+00, v12;
	v3 =	vmul.f32 $1.000000000e+04, v4  }
0xdf: {  	v18 =	vld [tilespmem:s30+$0xFFFFFFF0];
	v14 =	vsub.f32 $0.0e+00, v14;
	v8 =	vadd.f32 $1.000000000e+00, v8;
	v11 =	vpop (erf);
	(erf) = vpow2.f32 v6  }
0xe0: {  	v21 =	vld [tilespmem:s30+$0x0];
	vm13 =	vge.f32 v17, $5.000000000e-01;
	v10 =	vsub.f32 $0.0e+00, v10;
	(erf) = vrcp.f32 v2  }
0xe1: {  	v4 =	vadd.f32 $1.000000000e+00, v9;
	v9 =	vpop (erf);
	v6 =	vmul.f32 $1.000000000e+04, v11;
	(erf) = vrcp.f32 v8;
	v8 =	vld [tilespmem:s31+$0x10]  }
0xe2: {  	vm11 =	vge.f32 v7, $5.000000000e-01;
	v2 =	vmul.f32 $1.000000000e+04, v9;
	v7 =	vtrunc.f32 v3;
	v3 =	vpop (erf)  }
0xe3: {  	vm2 =	vge.f32 v5, $5.000000000e-01;
	v9 =	vld [tilespmem:s30+$0x10];
	v5 =	vtrunc.f32 v6;
	v6 =	vmul.f32 $1.000000000e+04, v3  }
0xe4: {  	vm14 =	vge.f32 v18, $5.000000000e-01;
	v10 =	vmul.f32 $1.442695020e+00, v10;
	v12 =	vld [tilespmem:s31+$0x0];
	(erf) = vrcp.f32 v4  }
0xe5: {  	vm15 =	vge.f32 v21, $5.000000000e-01;
	v11 =	vtrunc.f32 v2;
	v15 =	vpop (erf);
	v16 =	vtrunc.f32 v6  }
0xe6: {  	v6 =	vcvt.f32.s32 v11;
	v11 =	vadd.f32 $1.000000000e+00, v15;
	v8 =	vsub.f32 $0.0e+00, v8  }
0xe7: {  	v4 =	vsel vm11, $0x2800, v1;
	v7 =	vcvt.f32.s32 v7;
	v16 =	vcvt.f32.s32 v16  }
0xe8: {  	v15 =	vpop (erf);
	vm12 =	vge.f32 v9, $5.000000000e-01;
	(erf) = vrcp.f32 v11;
	v8 =	vmul.f32 $1.442695020e+00, v8  }
0xe9: {  	v5 =	vcvt.f32.s32 v5;
	v12 =	vsub.f32 $0.0e+00, v12;
	v19 =	vsel vm12, $0x2800, v1  }
0xea: {  	v2 =	vsel vm2, $0x2800, v1;
	v3 =	vsel vm1, $0x2800, v1;
	v9 =	vpop (erf);
	v16 =	vadd.s32 v16, v19  }
0xeb: {  	v20 =	vpop (erf);
	v11 =	vadd.f32 $1.000000000e+00, v9;
	v9 =	vmul.f32 $1.442695020e+00, v12;
	(erf) = vpow2.f32 v8  }
0xec: {  	v15 =	vadd.f32 $1.000000000e+00, v15;
	v12 =	vmul.f32 $1.442695020e+00, v14;
	v8 =	vpop (erf);
	(erf) = vpow2.f32 v10  }
0xed: {  	s8 =	simm.s32 $0x30E0;
	v63 =	vadd.f32 $1.000000000e+00, v20;
	v10 =	vpop (erf);
	(erf) = vpow2.f32 v9;
	v17 =	vmul.f32 $1.000000000e+04, v8  }
0xee: {  	[tilespmem:v13+s8+$0x0] =	vst.idx.add.f32.msk $0xffff, v0;
	v8 =	vsel vm13, $0x2800, v1;
	v13 =	vpop (erf);
	(erf) = vpow2.f32 v12;
	v14 =	vmul.f32 $1.000000000e+04, v10  }
0xef: {  	s9 =	simm.s32 $0x1910;
	v9 =	vsel vm14, $0x2800, v1;
	[tilespmem:v16+s8+$0x0] =	vst.idx.add.f32.msk $0xffff, v0;
	(erf) = vrcp.f32 v63;
	v13 =	vmul.f32 $1.000000000e+04, v13  }
0xf0: {  	s11 =	simm.s32 $0x120;
	s10 =	simm.s32 $0xC;
	v12 =	vld [tilespmem:s9+$0x10];
	v10 =	vsel vm15, $0x2800, v1;
	(erf) = vrcp.f32 v15;
	v15 =	vtrunc.f32 v17  }
.LBB2_8:
0xf1: {  	v16 =	vld [tilespmem:s11+$0x10];
	s10 =	sadd.s32 $0x4, s10;
	(erf) = vrcp.f32 v11;
	v11 =	vpop (erf);
	v14 =	vtrunc.f32 v14;
	v17 =	vadd.s32 v7, v4  }
0xf2: {  	v13 =	vtrunc.f32 v13;
	v19 =	vadd.s32 v5, v3;
	v4 =	vmovc v8;
	v3 =	vmovc v9;
	v18 =	vld [tilespmem:s11+$0xFFFFFFF0];
	p0 =	slt.u32 s10, $0x17C;
	v11 =	vmul.f32 $1.000000000e+04, v11  }
0xf3: {  	v7 =	vcvt.f32.s32 v15;
	v9 =	vadd.s32 v6, v2;
	v2 =	vmovc v10;
	v5 =	vcvt.f32.s32 v14;
	v8 =	vld [tilespmem:s11+$0x0]  }
0xf4: {  	v6 =	vcvt.f32.s32 v13;
	v10 =	vld [tilespmem:s11+$0xFFFFFFE0];
	v14 =	vpop (erf);
	v11 =	vtrunc.f32 v11  }
0xf5: {  	v13 =	vadd.f32 $1.000000000e+00, v14;
	v14 =	vpop (erf);
	v15 =	vld [tilespmem:s9+$0xFFFFFFE0];
	v11 =	vcvt.f32.s32 v11;
	vm0 =	vge.f32 v12, $5.000000000e-01  }
0xf6: {  	v12 =	vsub.f32 $0.0e+00, v16;
	v16 =	vadd.f32 $1.000000000e+00, v14;
	v14 =	vpop (erf);
	v20 =	vld [tilespmem:s9+$0xFFFFFFF0];
	v21 =	vsel vm0, $0x2800, v1  }
0xf7: {  	v18 =	vsub.f32 $0.0e+00, v18;
	v22 =	vpop (erf);
	(erf) = vrcp.f32 v13;
	v13 =	vld [tilespmem:s9+$0x0];
	v21 =	vadd.s32 v11, v21  }
0xf8: {  	v8 =	vsub.f32 $0.0e+00, v8;
	v24 =	vmul.f32 $1.442695020e+00, v12;
	v22 =	vadd.f32 $1.000000000e+00, v22;
	v23 =	vpop (erf);
	[tilespmem:v17+s8+$0x0] =	vst.idx.add.f32.msk $0xffff, v0  }
0xf9: {  	v11 =	vadd.f32 $1.000000000e+00, v14;
	v10 =	vsub.f32 $0.0e+00, v10;
	v17 =	vmul.f32 $1.442695020e+00, v18;
	v14 =	vpop (erf);
	[tilespmem:v19+s8+$0x0] =	vst.idx.add.f32.msk $0xffff, v0  }
0xfa: {  	v8 =	vmul.f32 $1.442695020e+00, v8;
	(erf) = vpow2.f32 v24;
	vm0 =	vge.f32 v15, $5.000000000e-01;
	v12 =	vpop (erf);
	[tilespmem:v9+s8+$0x0] =	vst.idx.add.f32.msk $0xffff, v0  }
.Ltmp5:
0xfb: {  	v9 =	vmul.f32 $1.442695020e+00, v10;
	(erf) = vpow2.f32 v17;
	vm1 =	vge.f32 v20, $5.000000000e-01;
	(pc) =	sbr.rel @p0 .LBB2_8-.Ltmp5, $4  }
0xfc: {  	v10 =	vmul.f32 $1.000000000e+04, v23;
	(erf) = vpow2.f32 v8;
	vm2 =	vge.f32 v13, $5.000000000e-01;
	[tilespmem:v21+s8+$0x0] =	vst.idx.add.f32.msk $0xffff, v0  }
0xfd: {  	v14 =	vmul.f32 $1.000000000e+04, v14;
	v8 =	vsel vm0, $0x2800, v1;
	(erf) = vpow2.f32 v9  }
0xfe: {  	s9 =	sadd.s32 $0x40, s9;
	v13 =	vmul.f32 $1.000000000e+04, v12;
	v9 =	vsel vm1, $0x2800, v1;
	(erf) = vrcp.f32 v22  }
0xff: {  	s11 =	sadd.s32 $0x40, s11;
	v15 =	vtrunc.f32 v10;
	v10 =	vsel vm2, $0x2800, v1;
	v12 =	vld [tilespmem:s9+$0x10];
	(erf) = vrcp.f32 v16  }
0x100: {  	_ =	sdelay $0x1  }
0x101: {  	v16 =	vpop (erf);
	(erf) = vrcp.f32 v11  }
0x102: {  	v31 =	vtrunc.f32 v14;
	v17 =	vpop (erf)  }
0x103: {  	v4 =	vadd.s32 v7, v4;
	v13 =	vtrunc.f32 v13;
	v3 =	vadd.s32 v5, v3;
	v32 =	vpop (erf)  }
0x104: {  	v34 =	vld [tilespmem:s9+$0xFFFFFFE0];
	v15 =	vcvt.f32.s32 v15;
	v33 =	vmul.f32 $1.000000000e+04, v16;
	v17 =	vadd.f32 $1.000000000e+00, v17;
	v35 =	vpop (erf)  }
0x105: {  	v2 =	vadd.s32 v6, v2;
	v36 =	vld [tilespmem:s9+$0xFFFFFFF0];
	v11 =	vcvt.f32.s32 v31;
	v13 =	vcvt.f32.s32 v13;
	v37 =	vpop (erf)  }
0x106: {  	v18 =	vld [tilespmem:s9+$0x0];
	v8 =	vadd.s32 v15, v8;
	(erf) = vrcp.f32 v17;
	v17 =	vadd.f32 $1.000000000e+00, v37  }
0x107: {  	s30 =	sadd.s32 $0x40, s9;
	v14 =	vtrunc.f32 v33;
	v9 =	vadd.s32 v11, v9;
	v7 =	vadd.f32 $1.000000000e+00, v32  }
0x108: {  	v41 =	vld [tilespmem:s30+$0x10];
	v10 =	vadd.s32 v13, v10;
	v16 =	vadd.f32 $1.000000000e+00, v35;
	v19 =	vpop (erf);
	(erf) = vrcp.f32 v17  }
0x109: {  	v46 =	vld [tilespmem:s30+$0xFFFFFFE0];
	v14 =	vcvt.f32.s32 v14;
	vm0 =	vge.f32 v12, $5.000000000e-01;
	v38 =	vpop (erf);
	(erf) = vrcp.f32 v7  }
0x10a: {  	v47 =	vld [tilespmem:s30+$0xFFFFFFF0];
	v12 =	vsel vm0, $0x2800, v1;
	vm10 =	vge.f32 v34, $5.000000000e-01;
	v39 =	vpop (erf);
	(erf) = vrcp.f32 v16  }
0x10b: {  	v50 =	vld [tilespmem:s30+$0x0];
	vm1 =	vge.f32 v36, $5.000000000e-01;
	vm2 =	vge.f32 v18, $5.000000000e-01;
	v12 =	vadd.s32 v14, v12  }
0x10c: {  	v42 =	vsel vm10, $0x2800, v1;
	v44 =	vsel vm1, $0x2800, v1;
	v40 =	vmul.f32 $1.000000000e+04, v19  }
0x10d: {  	v48 =	vsel vm2, $0x2800, v1;
	vm11 =	vge.f32 v41, $5.000000000e-01;
	v14 =	vmul.f32 $1.000000000e+04, v38  }
0x10e: {  	vm12 =	vge.f32 v46, $5.000000000e-01;
	v5 =	vmul.f32 $1.000000000e+04, v39;
	v6 =	vtrunc.f32 v40  }
0x10f: {  	vm13 =	vge.f32 v47, $5.000000000e-01;
	v14 =	vtrunc.f32 v14;
	v6 =	vcvt.f32.s32 v6;
	v43 =	vpop (erf)  }
0x110: {  	vm14 =	vge.f32 v50, $5.000000000e-01;
	v5 =	vtrunc.f32 v5;
	v45 =	vmul.f32 $1.000000000e+04, v43  }
0x111: {  	[tilespmem:v4+s8+$0x0] =	vst.idx.add.f32.msk $0xffff, v0;
	v56 =	vsel vm12, $0x2800, v1;
	v51 =	vcvt.f32.s32 v14;
	v5 =	vcvt.f32.s32 v5;
	v52 =	vpop (erf)  }
0x112: {  	[tilespmem:v3+s8+$0x0] =	vst.idx.add.f32.msk $0xffff, v0;
	v7 =	vsel vm11, $0x2800, v1;
	v49 =	vtrunc.f32 v45;
	v53 =	vpop (erf);
	v54 =	vmul.f32 $1.000000000e+04, v52  }
0x113: {  	[tilespmem:v2+s8+$0x0] =	vst.idx.add.f32.msk $0xffff, v0;
	v6 =	vadd.s32 v6, v42;
	v13 =	vcvt.f32.s32 v49;
	v55 =	vpop (erf);
	v3 =	vmul.f32 $1.000000000e+04, v53  }
0x114: {  	[tilespmem:v8+s8+$0x0] =	vst.idx.add.f32.msk $0xffff, v0;
	v4 =	vadd.s32 v51, v44;
	v2 =	vmul.f32 $1.000000000e+04, v55;
	v11 =	vtrunc.f32 v54  }
0x115: {  	[tilespmem:v9+s8+$0x0] =	vst.idx.add.f32.msk $0xffff, v0;
	v5 =	vadd.s32 v5, v48;
	v3 =	vtrunc.f32 v3;
	v57 =	vcvt.f32.s32 v11  }
0x116: {  	[tilespmem:v10+s8+$0x0] =	vst.idx.add.f32.msk $0xffff, v0;
	v7 =	vadd.s32 v13, v7;
	v2 =	vtrunc.f32 v2;
	v3 =	vcvt.f32.s32 v3  }
0x117: {  	v58 =	vsel vm13, $0x2800, v1;
	[tilespmem:v12+s8+$0x0] =	vst.idx.add.f32.msk $0xffff, v0;
	v2 =	vcvt.f32.s32 v2;
	v8 =	vadd.s32 v57, v56  }
0x118: {  	v59 =	vsel vm14, $0x2800, v1;
	[tilespmem:v6+s8+$0x0] =	vst.idx.add.f32.msk $0xffff, v0;
	v3 =	vadd.s32 v3, v58  }
0x119: {  	[tilespmem:v4+s8+$0x0] =	vst.idx.add.f32.msk $0xffff, v0;
	v1 =	vadd.s32 v2, v59  }
0x11a: {  	[tilespmem:v5+s8+$0x0] =	vst.idx.add.f32.msk $0xffff, v0  }
0x11b: {  	[tilespmem:v7+s8+$0x0] =	vst.idx.add.f32.msk $0xffff, v0  }
0x11c: {  	[tilespmem:v8+s8+$0x0] =	vst.idx.add.f32.msk $0xffff, v0  }
0x11d: {  	[tilespmem:v3+s8+$0x0] =	vst.idx.add.f32.msk $0xffff, v0  }
0x11e: {  	[tilespmem:v1+s8+$0x0] =	vst.idx.add.f32.msk $0xffff, v0  }
0x11f: {  	v0 =	vld [tilespmem:$0x1800];
	_ =	sdelay $0x4  }
0x120: {  	v0 =	vsub.f32 $0.0e+00, v0;
	_ =	sdelay $0x1  }
0x121: {  	v0 =	vmul.f32 $1.442695020e+00, v0;
	_ =	sdelay $0x1  }
0x122: {  	(erf) = vpow2.f32 v0;
	_ =	sdelay $0x8  }
0x123: {  	v0 =	vpop (erf)  }
0x124: {  	v0 =	vadd.f32 $1.000000000e+00, v0;
	_ =	sdelay $0x1  }
0x125: {  	(erf) = vrcp.f32 v0;
	_ =	sdelay $0x7  }
0x126: {  	v60 =	vld [tilespmem:$0x3070]  }
0x127: {  	v61 =	vpop (erf)  }
0x128: {  	v1 =	vmul.f32 $1.000000000e+04, v61;
	_ =	sdelay $0x1  }
0x129: {  	v1 =	vtrunc.f32 v1  }
0x12a: {  	v62 =	vimm.s32 $0x0;
	vm15 =	vge.f32 v60, $5.000000000e-01;
	v1 =	vcvt.f32.s32 v1  }
0x12b: {  	v0 =	vsel vm15, $0x2800, v62  }
0x12c: {  	v0 =	vadd.s32 v1, v0;
	_ =	sdelay $0x3  }
0x12d: {  	v63 =	vimm.f32 $1.000000000e+00;
	s31 =	simm.s32 $0x30E0  }
0x12e: {  	[tilespmem:v0+s31+$0x0] =	vst.idx.add.f32.msk $0xffff, v63  }
.LBB2_10:
0x12f: {  	[bflag:$0x0] =	sbarrier.arrive $0xFFFF;
	s8 =	simm.s32 $0x2  }
0x130: {  	s9 =	simm.s32 $0x80E0;
	s10 =	simm.s32 $0x30E0;
	s19 =	simm.s32 $0x1  }
0x131: {  	[spmem:s4] =	stream.indirect.scatter.add.f32 [tilespmem:s10], [sflag:$0x1], $0x2800, s9, s8, $0xb8;
	[tilespmem:$0x8C18] =	vst v63  }
0x132: {  	_ =	swait.ge [sflag:s19], $0x5000  }
0x133: {  	[sflag:s19] =	ssyncset.done $0x0  }
0x134: {  	[sflag:s19] =	ssyncadd.s32 $0xFFFFB000  }
0x135: {  	s20 =	simm.s32 $0x80E8;
	[bflag:$0x0] =	sbarrier.arrive $0xFFFF  }
0x136: {  	[tilespmem:s20], [sflag:$0x1] =	stream.linear.gather [spmem:s7], $0x280, $0x38;
	[tilespmem:$0x8C18] =	vst v63  }
0x137: {  	_ =	swait.ge [sflag:s19], $0x280  }
0x138: {  	[sflag:s19] =	ssyncset.done $0x0  }
0x139: {  	s21 =	simm.s32 $0x8368;
	[sflag:s19] =	ssyncadd.s32 $0xFFFFFD80  }
0x13a: {  	[tilespmem:s21], [sflag:$0x1] =	stream.linear.gather [spmem:s6], $0x280, $0x38;
	[tilespmem:$0x8C18] =	vst v63  }
0x13b: {  	_ =	swait.ge [sflag:s19], $0x280  }
0x13c: {  	[sflag:s19] =	ssyncset.done $0x0  }
0x13d: {  	s22 =	simm.s32 $0x8108;
	[sflag:s19] =	ssyncadd.s32 $0xFFFFFD80  }
0x13e: {  	v2 =	vld [tilespmem:s22+$0xFFFFFFE0];
	_ =	sdelay $0x4  }
0x13f: {  	(xrf2) =	vadd.scan.msk.f32 $0xffff, v2  }
0x140: {  	v3 =	vld [tilespmem:s22+$0xFFFFFFF0];
	_ =	sdelay $0x2  }
0x141: {  	v8 =	vld [tilespmem:s22+$0x0];
	_ =	sdelay $0x1  }
0x142: {  	(xrf2) =	vadd.scan.msk.f32 $0xffff, v3  }
0x143: {  	v11 =	vld [tilespmem:s22+$0x10];
	_ =	sdelay $0x1  }
0x144: {  	(xrf2) =	vadd.scan.msk.f32 $0xffff, v8  }
0x145: {  	v5, _, _ =	vpop (xrf2)  }
0x146: {  	s23 =	simm.s32 $0x8148;
	(v2sf) =	vpush v5, $0xF  }
0x147: {  	v19 =	vld [tilespmem:s23+$0xFFFFFFE0];
	(xrf2) =	vadd.scan.msk.f32 $0xffff, v11;
	_ =	sdelay $0x2  }
0x148: {  	v4 =	vld [tilespmem:s23+$0xFFFFFFF0]  }
0x149: {  	v7, _, _ =	vpop (xrf2)  }
0x14a: {  	(xrf2) =	vadd.scan.msk.f32 $0xffff, v19;
	(v2sf) =	vpush v7, $0xF  }
0x14b: {  	v6 =	vld [tilespmem:s23+$0x0]  }
0x14c: {  	v12, _, _ =	vpop (xrf2)  }
0x14d: {  	(xrf2) =	vadd.scan.msk.f32 $0xffff, v4;
	(v2sf) =	vpush v12, $0xF  }
0x14e: {  	v1 =	vld [tilespmem:s23+$0x10]  }
0x14f: {  	v15, _, _ =	vpop (xrf2)  }
0x150: {  	(xrf2) =	vadd.scan.msk.f32 $0xffff, v6;
	(v2sf) =	vpush v15, $0xF  }
0x151: {  	s25 =	simm.f32 $0.0e+00  }
0x152: {  	s24 =	simm.s32 $0x8188;
	v5 =	vadd.f32 s25, v5  }
0x153: {  	v0 =	vld [tilespmem:s24+$0xFFFFFFE0];
	(xrf2) =	vadd.scan.msk.f32 $0xffff, v1;
	s28 =	spop (v2sf)  }
0x154: {  	s26 =	simm.s32 $0x8388;
	v10 =	vmul.f32 $5.000000000e-01, v2;
	v2 =	vsub.f32 v5, v2;
	v16, _, _ =	vpop (xrf2);
	s6 =	sadd.f32 s28, s25  }
0x155: {  	v17 =	vld [tilespmem:s26+$0xFFFFFFE0];
	(v2sf) =	vpush v16, $0xF  }
0x156: {  	v21 =	vadd.f32 v2, v10;
	v2 =	vadd.f32 s6, v7;
	v7 =	vld [tilespmem:s24+$0xFFFFFFF0]  }
0x157: {  	v18 =	vld [tilespmem:s26+$0xFFFFFFF0];
	v9, _, _ =	vpop (xrf2)  }
0x158: {  	(xrf2) =	vadd.scan.msk.f32 $0xffff, v0;
	(v2sf) =	vpush v9, $0xF  }
0x159: {  	v20 =	vimm.f32 $0.0e+00;
	s29 =	spop (v2sf);
	v23 =	vsub.f32 v2, v3;
	v2 =	vld [tilespmem:s24+$0x0]  }
0x15a: {  	v5 =	vadd.f32 v17, v20;
	v10, _, _ =	vpop (xrf2);
	s6 =	sadd.f32 s29, s6  }
0x15b: {  	v22 =	vld [tilespmem:s26+$0x0];
	(v2sf) =	vpush v10, $0xF;
	(xrf2) =	vadd.scan.msk.f32 $0xffff, v7  }
0x15c: {  	v24 =	vadd.f32 v18, v5;
	v5 =	vld [tilespmem:s24+$0x10];
	s30 =	spop (v2sf);
	v12 =	vadd.f32 s6, v12  }
0x15d: {  	v13, _, _ =	vpop (xrf2);
	s6 =	sadd.f32 s30, s6  }
0x15e: {  	(v2sf) =	vpush v13, $0xF;
	v3 =	vmul.f32 $5.000000000e-01, v3;
	v12 =	vsub.f32 v12, v8;
	(xrf2) =	vadd.scan.msk.f32 $0xffff, v2  }
0x15f: {  	v14 =	vmul.f32 $5.000000000e-01, v19;
	v21 =	vmul.f32 v21, v17;
	s31 =	spop (v2sf);
	v25 =	vadd.f32 s6, v15  }
0x160: {  	v17 =	vadd.f32 v22, v24;
	v8 =	vmul.f32 $5.000000000e-01, v8;
	v3 =	vadd.f32 v23, v3;
	s8 =	sadd.f32 s31, s6;
	s6 =	simm.s32 $0x81C8;
	v15 =	vld [tilespmem:s26+$0x10]  }
0x161: {  	v63 =	vmul.f32 $5.000000000e-01, v11;
	v21 =	vadd.f32 v21, v20;
	v62 =	vsub.f32 v25, v11;
	v11 =	vld [tilespmem:s6+$0xFFFFFFE0];
	(xrf2) =	vadd.scan.msk.f32 $0xffff, v5  }
0x162: {  	v23 =	vadd.f32 v12, v8;
	v26 =	vadd.f32 s8, v16;
	v27 =	vmul.f32 v3, v18;
	v12, _, _ =	vpop (xrf2)  }
0x163: {  	s7 =	simm.s32 $0x83C8;
	v8 =	vmul.f32 $5.000000000e-01, v0;
	v3 =	vld [tilespmem:s6+$0xFFFFFFF0];
	v18 =	vadd.f32 v62, v63;
	(v2sf) =	vpush v12, $0xF  }
0x164: {  	s4 =	sadd.s32 s5, s2;
	s5 =	simm.s32 $0xC;
	s9 =	spop (v2sf);
	v16 =	vld [tilespmem:s7+$0xFFFFFFE0];
	v20 =	vmul.f32 v23, v22;
	v19 =	vsub.f32 v26, v19;
	v21 =	vadd.f32 v27, v21  }
.LBB2_11:
0x165: {  	s5 =	sadd.s32 $0x4, s5;
	v22, _, _ =	vpop (xrf2);
	v17 =	vadd.f32 v15, v17  }
0x166: {  	v15 =	vmul.f32 v18, v15;
	p0 =	slt.u32 s5, $0x24;
	v23 =	vld [tilespmem:s6+$0x0];
	(xrf2) =	vadd.scan.msk.f32 $0xffff, v11;
	(v2sf) =	vpush v22, $0xF;
	v20 =	vadd.f32 v20, v21;
	v24 =	vmovc v11  }
0x167: {  	s8 =	sadd.f32 s9, s8;
	v11 =	vadd.f32 v19, v14;
	v14 =	vmov v8;
	v18 =	vld [tilespmem:s7+$0xFFFFFFF0];
	s9 =	spop (v2sf);
	v8 =	vmul.f32 $5.000000000e-01, v24  }
0x168: {  	v19, _, _ =	vpop (xrf2);
	v21 =	vld [tilespmem:s7+$0x0];
	v20 =	vadd.f32 v15, v20  }
0x169: {  	v25 =	vld [tilespmem:s6+$0x10];
	(xrf2) =	vadd.scan.msk.f32 $0xffff, v3;
	(v2sf) =	vpush v19, $0xF;
	v26 =	vmul.f32 v11, v16;
	v11 =	vadd.f32 s8, v9;
	s8 =	sadd.f32 s9, s8;
	v9 =	vmovc v22  }
0x16a: {  	v15 =	vadd.f32 v16, v17;
	s9 =	spop (v2sf)  }
0x16b: {  	v16, _, _ =	vpop (xrf2);
	v11 =	vsub.f32 v11, v4;
	v17 =	vadd.f32 s8, v10;
	s8 =	sadd.f32 s9, s8;
	v10 =	vmov v19  }
0x16c: {  	v19 =	vmul.f32 $5.000000000e-01, v4;
	v4 =	vmovc v7;
	(xrf2) =	vadd.scan.msk.f32 $0xffff, v23;
	(v2sf) =	vpush v16, $0xF;
	v15 =	vadd.f32 v18, v15  }
0x16d: {  	v27 =	vmul.f32 $5.000000000e-01, v6;
	v22 =	vsub.f32 v17, v6;
	v28 =	vadd.f32 s8, v13;
	s9 =	spop (v2sf);
	v6 =	vmovc v2;
	v2 =	vmovc v23  }
.Ltmp6:
0x16e: {  	s6 =	sadd.s32 $0x40, s6;
	v7 =	vmovc v3;
	v19 =	vadd.f32 v11, v19;
	v13 =	vmov v16;
	v17 =	vadd.f32 v21, v15;
	v15 =	vld [tilespmem:s7+$0x10];
	s8 =	sadd.f32 s9, s8;
	(pc) =	sbr.rel @p0 .LBB2_11-.Ltmp6, $4  }
0x16f: {  	v23 =	vmul.f32 $5.000000000e-01, v1;
	v11 =	vld [tilespmem:s6+$0xFFFFFFE0];
	(xrf2) =	vadd.scan.msk.f32 $0xffff, v25;
	v16 =	vadd.f32 v22, v27;
	v22 =	vsub.f32 v28, v1;
	v1 =	vmovc v5  }
0x170: {  	v26 =	vadd.f32 v26, v20;
	v28 =	vmul.f32 v19, v18;
	v27 =	vadd.f32 s8, v12;
	v12, _, _ =	vpop (xrf2)  }
0x171: {  	s7 =	sadd.s32 $0x40, s7;
	v5 =	vmovc v25;
	v3 =	vld [tilespmem:s6+$0xFFFFFFF0];
	(v2sf) =	vpush v12, $0xF;
	v20 =	vmul.f32 v16, v21;
	v18 =	vadd.f32 v22, v23  }
0x172: {  	v21 =	vadd.f32 v28, v26;
	v16 =	vld [tilespmem:s7+$0xFFFFFFE0];
	v19 =	vsub.f32 v27, v0;
	s9 =	spop (v2sf);
	v0 =	vmov v24  }
0x173: {  	_ = 	snop  }
0x174: {  	v22 =	vld [tilespmem:s6+$0x0];
	(xrf2) =	vadd.scan.msk.f32 $0xffff, v11;
	_ =	sdelay $0x1  }
0x175: {  	v23, _, _ =	vpop (xrf2);
	(xrf2) =	vadd.scan.msk.f32 $0xffff, v3;
	_ =	sdelay $0x1  }
0x176: {  	(v2sf) =	vpush v23, $0xF  }
0x177: {  	v24, _, _ =	vpop (xrf2);
	(xrf2) =	vadd.scan.msk.f32 $0xffff, v22;
	_ =	sdelay $0x1  }
0x178: {  	(v2sf) =	vpush v24, $0xF  }
0x179: {  	v18 =	vmul.f32 v18, v15;
	s5 =	sadd.f32 s9, s8;
	v51 =	vld [tilespmem:s7+$0xFFFFFFF0];
	v52 =	vadd.f32 v15, v17;
	v20 =	vadd.f32 v20, v21;
	v54, _, _ =	vpop (xrf2)  }
0x17a: {  	v14 =	vadd.f32 v19, v14;
	s17 =	spop (v2sf);
	(v2sf) =	vpush v54, $0xF  }
0x17b: {  	v9 =	vadd.f32 s5, v9;
	v53 =	vadd.f32 v18, v20;
	s5 =	sadd.f32 s17, s5;
	v55, _, _ =	vpop (xrf2)  }
0x17c: {  	v15 =	vadd.f32 v16, v52;
	s18 =	spop (v2sf);
	(v2sf) =	vpush v55, $0xF  }
0x17d: {  	v57 =	vmul.f32 $5.000000000e-01, v4;
	v9 =	vsub.f32 v9, v4;
	v10 =	vadd.f32 s5, v10;
	v25, _, _ =	vpop (xrf2)  }
0x17e: {  	v56 =	vld [tilespmem:s7+$0x0];
	v14 =	vmul.f32 v14, v16;
	s5 =	sadd.f32 s18, s5;
	v15 =	vadd.f32 v51, v15;
	s19 =	spop (v2sf);
	(v2sf) =	vpush v25, $0xF  }
0x17f: {  	v58 =	vmul.f32 $5.000000000e-01, v6;
	v4 =	vadd.f32 v9, v57;
	v10 =	vsub.f32 v10, v6  }
0x180: {  	v59 =	vld [tilespmem:s7+$0x10];
	v14 =	vadd.f32 v14, v53;
	v13 =	vadd.f32 s5, v13;
	s5 =	sadd.f32 s19, s5;
	v62, _, _ =	vpop (xrf2)  }
0x181: {  	v4 =	vmul.f32 v4, v51;
	v6 =	vadd.f32 v10, v58;
	(v2sf) =	vpush v62, $0xF  }
0x182: {  	v61 =	vmul.f32 $5.000000000e-01, v1;
	v63 =	vld [tilespmem:s6+$0x10];
	s21 =	sadd.s32 $0x40, s7;
	v60 =	vsub.f32 v13, v1;
	v12 =	vadd.f32 s5, v12;
	s20 =	spop (v2sf)  }
0x183: {  	v17 =	vld [tilespmem:s21+$0xFFFFFFE0];
	v15 =	vadd.f32 v56, v15;
	v4 =	vadd.f32 v4, v14;
	s5 =	sadd.f32 s20, s5  }
0x184: {  	v6 =	vmul.f32 v6, v56;
	v1 =	vadd.f32 v60, v61;
	v0 =	vsub.f32 v12, v0;
	s22 =	spop (v2sf)  }
0x185: {  	v21 =	vld [tilespmem:s21+$0xFFFFFFF0];
	v20 =	vadd.f32 v59, v15;
	v26 =	vadd.f32 s5, v23;
	s7 =	sadd.f32 s22, s5  }
0x186: {  	v4 =	vadd.f32 v6, v4;
	v1 =	vmul.f32 v1, v59;
	v0 =	vadd.f32 v0, v8  }
0x187: {  	v29 =	vmul.f32 $5.000000000e-01, v7;
	v8 =	vsub.f32 v26, v7;
	s23 =	spop (v2sf);
	v27 =	vadd.f32 s7, v24  }
0x188: {  	v30 =	vmul.f32 $5.000000000e-01, v2;
	v28 =	vld [tilespmem:s21+$0x0];
	v12 =	vadd.f32 v17, v20;
	(xrf2) =	vadd.scan.msk.f32 $0xffff, v63;
	v1 =	vadd.f32 v1, v4;
	s5 =	sadd.f32 s23, s7  }
0x189: {  	v0 =	vmul.f32 v0, v17;
	v7 =	vadd.f32 v8, v29;
	v4 =	vsub.f32 v27, v2;
	s24 =	spop (v2sf)  }
0x18a: {  	v32 =	vadd.f32 v21, v12;
	v31 =	vadd.f32 s5, v54;
	s5 =	sadd.f32 s24, s5  }
0x18b: {  	v33 =	vld [tilespmem:s21+$0x10];
	v0 =	vadd.f32 v0, v1;
	v36 =	vmul.f32 v7, v21;
	v2 =	vadd.f32 v4, v30;
	s25 =	spop (v2sf)  }
0x18c: {  	v35 =	vmul.f32 $5.000000000e-01, v5;
	s6 =	sadd.s32 $0x40, s21;
	v34 =	vsub.f32 v31, v5;
	v38 =	vadd.f32 s5, v55;
	s5 =	sadd.f32 s25, s5  }
0x18d: {  	v40 =	vld [tilespmem:s6+$0xFFFFFFE0];
	v37 =	vadd.f32 v28, v32;
	v0 =	vadd.f32 v36, v0;
	v2 =	vmul.f32 v2, v28;
	s26 =	spop (v2sf)  }
0x18e: {  	v39 =	vmul.f32 $5.000000000e-01, v11;
	v4 =	vadd.f32 v34, v35;
	v7 =	vsub.f32 v38, v11;
	s7 =	sadd.f32 s26, s5  }
0x18f: {  	v0 =	vadd.f32 v2, v0;
	v42 =	vadd.f32 s5, v25  }
0x190: {  	v43 =	vld [tilespmem:s6+$0xFFFFFFF0];
	v41 =	vmul.f32 v4, v33;
	v1 =	vadd.f32 v7, v39;
	s28 =	spop (v2sf);
	v44 =	vadd.f32 s7, v62  }
0x191: {  	v47 =	vmul.f32 $5.000000000e-01, v3;
	v6 =	vadd.f32 v33, v37;
	s5 =	sadd.f32 s28, s7;
	v46 =	vsub.f32 v42, v3  }
0x192: {  	v48 =	vld [tilespmem:s6+$0x0];
	v45, _, _ =	vpop (xrf2);
	v0 =	vadd.f32 v41, v0;
	v1 =	vmul.f32 v1, v40;
	v8 =	vsub.f32 v44, v22  }
0x193: {  	v49 =	vmul.f32 $5.000000000e-01, v22;
	v50 =	vadd.f32 s5, v45;
	v2 =	vadd.f32 v46, v47  }
0x194: {  	v51 =	vld [tilespmem:s6+$0x10];
	v54 =	vmul.f32 $5.000000000e-01, v63;
	v5 =	vadd.f32 v40, v6;
	v0 =	vadd.f32 v1, v0  }
0x195: {  	v52 =	vadd.f32 v8, v49;
	v53 =	vsub.f32 v50, v63;
	v55 =	vmul.f32 v2, v43  }
0x196: {  	v56 =	vadd.f32 v43, v5  }
0x197: {  	v57 =	vmul.f32 v52, v48;
	v58 =	vadd.f32 v53, v54;
	v0 =	vadd.f32 v55, v0  }
0x198: {  	v59 =	vadd.f32 v48, v56  }
0x199: {  	(v2sf) =	vpush v45, $0xF;
	v0 =	vadd.f32 v57, v0;
	v60 =	vmul.f32 v58, v51  }
0x19a: {  	v1 =	vadd.f32 v51, v59  }
0x19b: {  	v0 =	vadd.f32 v60, v0  }
0x19c: {  	(xrf2) =	vadd.scan.msk.f32 $0xffff, v1  }
0x19d: {  	(xrf2) =	vadd.scan.msk.f32 $0xffff, v0;
	_ =	sdelay $0x8  }
0x19e: {  	v61, _, _ =	vpop (xrf2)  }
0x19f: {  	v62, _, _ =	vpop (xrf2)  }
0x1a0: {  	s29 =	spop (v2sf);
	v0 =	vbroadcast v61, $0xF;
	v1 =	vbroadcast v62, $0xF  }
0x1a1: {  	vm0 =	vcmask $0x3F08;
	v63 =	vlaneseq.u32;
	s5 =	sadd.f32 s29, s5  }
0x1a2: {  	vm15 =	veq.s32 v63, $0x0;
	v0 =	vsel vm0, v1, v0  }
0x1a3: {  	v0 =	vsel vm15, s5, v0  }
0x1a4: {  	s30 =	simm.s32 $0x86E8;
	s31 =	simm.s32 $0x1;
	[tilespmem:$0x86E8] =	vst v0  }
0x1a5: {  	[spmem:s4] =	stream.linear.scatter [tilespmem:s30], [sflag:$0x1], $0x10, $0x38;
	[tilespmem:$0x8C18] =	vst v63  }
0x1a6: {  	_ =	swait.ge [sflag:s31], $0x10  }
0x1a7: {  	[sflag:s31] =	ssyncset.done $0x0  }
0x1a8: {  	[sflag:s31] =	ssyncadd.s32 $0xFFFFFFF0  }
0x1a9: {  	p0 =	sne.s32 s3, $0x0;
	[bflag:$0x0] =	sbarrier.arrive $0xFFFF  }
0x1aa: {  	_ =	sfence.sel @p0 $0x180000  }
0x1ab: {  	[bflag:$0x0] =	sbarrier.arrive @p0 $0xFFFF  }
0x1ac: {  	v0 =	vlaneseq.u32 @!p0;
	_ =	strace @p0 $0x90000047  }
0x1ad: {  	s3 =	simm.s32 @!p0 $0x85E8;
	v0 =	vmul.u32 @!p0 $0x10, v0;
	[bflag:$0x2] =	sbarrier.arrive @p0 $0xFFFF  }
0x1ae: {  	[tilespmem:s3], [sflag:$0x1] =	stream.linear.gather @!p0 [spmem:s2], $0x100, $0x38;
	[tilespmem:$0x8C18] =	vst v63  }
0x1af: {  	s2 =	simm.s32 @!p0 $0x1  }
0x1b0: {  	_ =	swait.ge @!p0 [sflag:s2], $0x100  }
0x1b1: {  	[sflag:s2] =	ssyncset.done @!p0 $0x0  }
0x1b2: {  	[sflag:s2] =	ssyncadd.s32 @!p0 $0xFFFFFF00  }
0x1b3: {  	v1 =	vld.idx.msk @!p0 [tilespmem:v0+s3+$0x0], $0xffff;
	_ =	sdelay $0x1  }
0x1b4: {  	v2 =	vor.u32 @!p0 $0x1, v0;
	_ =	sdelay $0x2  }
0x1b5: {  	(xrf2) =	vadd.scan.msk.f32 @!p0 $0xffff, v1;
	_ =	sdelay $0x1  }
0x1b6: {  	v2 =	vld.idx.msk @!p0 [tilespmem:v2+s3+$0x0], $0xffff;
	_ =	sdelay $0x4  }
0x1b7: {  	v0 =	vor.u32 @!p0 $0x2, v0;
	(xrf2) =	vadd.scan.msk.f32 @!p0 $0xffff, v2;
	_ =	sdelay $0x2  }
0x1b8: {  	v3, _, _ =	vpop @!p0 (xrf2)  }
0x1b9: {  	v4 =	vbroadcast @!p0 v3, $0xF;
	v1 =	vsub.f32 @!p0 v3, v1  }
0x1ba: {  	v0 =	vld.idx.msk @!p0 [tilespmem:v0+s3+$0x0], $0xffff  }
0x1bb: {  	v1 =	vsub.f32 @!p0 v4, v1;
	_ =	sdelay $0x1  }
0x1bc: {  	v1 =	vmul.f32 @!p0 v1, v2;
	_ =	sdelay $0x1  }
0x1bd: {  	v2, _, _ =	vpop @!p0 (xrf2);
	v0 =	vsub.f32 @!p0 v1, v0  }
0x1be: {  	v1 =	vmul.f32 @!p0 v2, v3  }
0x1bf: {  	(xrf2) =	vadd.scan.msk.f32 @!p0 $0xffff, v0  }
0x1c0: {  	v0 =	vbroadcast @!p0 v1, $0xF;
	_ =	sdelay $0x1  }
0x1c1: {  	(erf) = vrcp.f32 @!p0 v0;
	_ =	sdelay $0x6  }
0x1c2: {  	v0, _, _ =	vpop @!p0 (xrf2)  }
0x1c3: {  	v0 =	vbroadcast @!p0 v0, $0xF  }
0x1c4: {  	v1 =	vpop @!p0 (erf)  }
0x1c5: {  	v0 =	vmul.f32 @!p0 v0, v1;
	_ =	sdelay $0x1  }
0x1c6: {  	s4 =	simm.s32 @!p0 $0x86F8;
	s3 =	simm.s32 @!p0 $0x0;
	[tilespmem:$0x86F8] =	vst @!p0 v0  }
0x1c7: {  	[hbm4b:s1+s3] =	stream.linear.scatter @!p0 [tilespmem:s4], [sflag:$0x1], $0x10, $0x38;
	[tilespmem:$0x8C18] =	vst v63  }
0x1c8: {  	_ =	swait.ge @!p0 [sflag:s2], $0x10  }
0x1c9: {  	[sflag:s2] =	ssyncset.done @!p0 $0x0  }
0x1ca: {  	[sflag:s2] =	ssyncadd.s32 @!p0 $0xFFFFFFF0  }
0x1cb: {  	_ =	sfence.sel @!p0 $0x180000  }
0x1cc: {  	[bflag:$0x0] =	sbarrier.arrive @!p0 $0xFFFF  }
0x1cd: {  	_ =	strace @!p0 $0x90000047  }
0x1ce: {  	s0 =	sadd.s32 @!p0 $0x100000, s0;
	[bflag:$0x2] =	sbarrier.arrive @!p0 $0xFFFF  }
0x1cf: {  	[sflag:s0] =	ssyncadd.tile.s32 @!p0 $0x1;
	_ =	shalt  }
.Lfunc_end2:
_tile_overlayer_lowered:
.L_overlay_start_2:
0x1d0: {  	(tag) =	ssettag $0x2  }
0x1d1: {  	s0 =	rddreg [dreg:$0x0];
	s2 =	stileid.u32  }
0x1d2: {  	s1 =	rddreg [dreg:$0x1];
	p0 =	sne.s32 s2, $0x0  }
0x1d3: {  	s3 =	rddreg [dreg:$0x2];
	[bflag:$0x3] =	sbarrier.arrive $0xFFFF;
	s2 =	simm.s32 @!p0 $0x1C01  }
0x1d4: {  	[timem:s3], [sflag:s2] =	dma.local @!p0 [hbm:s0], s1  }
0x1d5: {  	s0 =	simm.s32 @!p0 $0x1  }
0x1d6: {  	_ =	swait.ge @!p0 [sflag:s0], s1  }
0x1d7: {  	s1 =	ssub.s32 @!p0 $0x0, s1;
	[sflag:s0] =	ssyncset.done @!p0 $0x0  }
0x1d8: {  	[sflag:s0] =	ssyncadd.s32 @!p0 s1  }
0x1d9: {  	[bflag:$0x3] =	sbarrier.arrive $0xFFFF  }
0x1da: {  	_ =	shalt  }

</sc_bundles>
